<compile_context>
chip_gen: v7x
topology: tpu7x:2x2x1
jax: 0.10.2.dev20260603
libtpu: 0.0.44.dev20260713+nightly
codegen_flags: <defaults>
</compile_context>

<pallas_src>
import functools

import jax
import jax.numpy as jnp
from jax import lax
from jax.experimental import pallas as pl
from jax.experimental.pallas import tpu as pltpu
from jax.experimental.pallas import tpu_sc as plsc

_T = 32
_WINDOW = 10
_NC = 2
_NS = 16
_L = 16
_CH = 1024
_GROUPS = _CH // _L


def _sigmoid_times(xv):
    sig = 1.0 / (1.0 + jnp.exp(-xv))
    return (sig * float(_WINDOW)).astype(jnp.int32)


def _make_sc_call(B, N):
    n_chunks = N // _CH
    mesh = plsc.VectorSubcoreMesh(core_axis_name="c", subcore_axis_name="s")

    @functools.partial(
        pl.kernel,
        mesh=mesh,
        compiler_params=pltpu.CompilerParams(
            use_tc_tiling_on_sc=False, needs_layout_passes=False
        ),
        out_type=jax.ShapeDtypeStruct((B * _T, N), jnp.float32),
        scratch_types=[
            pltpu.VMEM((_CH,), jnp.float32),
            pltpu.VMEM((_CH,), jnp.float32),
            pltpu.VMEM((_T, _CH), jnp.float32),
            pltpu.VMEM((_T, _CH), jnp.float32),
            pltpu.VMEM((_CH,), jnp.int32),
            pltpu.VMEM((_CH,), jnp.int32),
            pltpu.SemaphoreType.DMA,
            pltpu.SemaphoreType.DMA,
        ],
    )
    def sc_kernel(x_hbm, out_hbm, xa, xb, oa, ob, ta, tb, sa, sb):
        wid = lax.axis_index("s") * _NC + lax.axis_index("c")
        b = wid

        zeros16 = jnp.zeros((_L,), jnp.float32)
        ones16 = jnp.ones((_L,), jnp.float32)
        cols0 = lax.iota(jnp.int32, _L)

        _UNROLL = 4

        def zero_buf(obuf):
            def row(t, c):
                for g in range(_GROUPS):
                    obuf[t, pl.ds(g * _L, _L)] = zeros16
                return c
            lax.fori_loop(0, _T, row, 0)

        def fill_chunk(k, xbuf, obuf, tbuf):
            pltpu.sync_copy(x_hbm.at[b, pl.ds(k * _CH, _CH)], xbuf)

            def body(i, c):
                for u in range(_UNROLL):
                    base = (i * _UNROLL + u) * _L
                    xv = xbuf[pl.ds(base, _L)]
                    times = _sigmoid_times(xv)
                    tbuf[pl.ds(base, _L)] = times
                    plsc.store_scatter(obuf, [times, base + cols0], ones16)
                return c
            lax.fori_loop(0, _GROUPS // _UNROLL, body, 0)

        def clear_chunk(obuf, tbuf):
            def body(i, c):
                for u in range(_UNROLL):
                    base = (i * _UNROLL + u) * _L
                    times = tbuf[pl.ds(base, _L)]
                    plsc.store_scatter(obuf, [times, base + cols0], zeros16)
                return c
            lax.fori_loop(0, _GROUPS // _UNROLL, body, 0)

        def out_slice(k):
            return out_hbm.at[pl.ds(b * _T, _T), pl.ds(k * _CH, _CH)]

        zero_buf(oa)
        zero_buf(ob)

        fill_chunk(0, xa, oa, ta)
        pltpu.async_copy(oa, out_slice(0), sa)
        fill_chunk(1, xb, ob, tb)
        pltpu.async_copy(ob, out_slice(1), sb)

        def pair(i, carry):
            k0 = 2 * i
            pltpu.make_async_copy(oa, out_slice(k0), sa).wait()
            clear_chunk(oa, ta)
            fill_chunk(k0, xa, oa, ta)
            pltpu.async_copy(oa, out_slice(k0), sa)
            k1 = k0 + 1
            pltpu.make_async_copy(ob, out_slice(k1), sb).wait()
            clear_chunk(ob, tb)
            fill_chunk(k1, xb, ob, tb)
            pltpu.async_copy(ob, out_slice(k1), sb)
            return carry

        lax.fori_loop(1, n_chunks // 2, pair, 0)

        pltpu.make_async_copy(oa, out_slice(0), sa).wait()
        pltpu.make_async_copy(ob, out_slice(1), sb).wait()

    return sc_kernel


def kernel(features):
    B, S, F = features.shape
    N = S * F
    x2 = features.reshape(B, N)
    out = _make_sc_call(B, N)(x2)
    return out.reshape(B, _T, S, F)

# --- scband reference (transcript-rebuilt; emitter-appended) ---
"""Pipeline reference for scband-spike-encoder-43765716746746 (READ-ONLY COPY).

The authoritative reference and input builder live on the scoring server;
editing this copy changes nothing except your own understanding.
"""

import jax, jax.numpy as jnp
import numpy as np

TIMESTEPS = 32
ENCODING_WINDOW = 10


def setup_inputs(seed: int = 0) -> dict:
    key = jax.random.key(seed)
    features = jax.random.normal(key, (32, 128, 768), dtype=jnp.float32)
    return {"features": features}


def reference(features):
    # Faithful port of SpikeEncoder.temporal_encoding:
    #   features_norm = sigmoid(features)
    #   spike_times   = (features_norm * encoding_window).long()
    #   spike_trains[b, spike_time, s, f] = 1.0  if spike_time < timesteps
    # Implemented as one vectorized scatter-overwrite (.at[...].set).
    B, S, F = features.shape
    features_norm = jax.nn.sigmoid(features)
    spike_times = (features_norm * ENCODING_WINDOW).astype(jnp.int32)

    b = jnp.arange(B)[:, None, None]
    s = jnp.arange(S)[None, :, None]
    f = jnp.arange(F)[None, None, :]

    valid = spike_times < TIMESTEPS
    t = jnp.where(valid, spike_times, 0)
    vals = valid.astype(jnp.float32)

    spike_trains = jnp.zeros((B, TIMESTEPS, S, F), dtype=jnp.float32)
    spike_trains = spike_trains.at[b, t, s, f].set(vals)
    return spike_trains

if __name__ == "__main__":
    import jax
    _d = setup_inputs()
    print(jax.jit(kernel)(*tuple(_d.values())))

</pallas_src>

<mosaic_0001>
#map = affine_map<(d0, d1) -> (0, 0)>
module attributes {stable_mosaic.version = 14 : i64} {
  func.func @sc_kernel(%arg0: i32, %arg1: i32, %arg2: memref<32x98304xf32, #tpu.memory_space<hbm>>, %arg3: memref<1024x98304xf32, #tpu.memory_space<hbm>>, %arg4: memref<1024xf32, #tpu.memory_space<vmem>>, %arg5: memref<1024xf32, #tpu.memory_space<vmem>>, %arg6: memref<32x1024xf32, #tpu.memory_space<vmem>>, %arg7: memref<32x1024xf32, #tpu.memory_space<vmem>>, %arg8: memref<1024xi32, #tpu.memory_space<vmem>>, %arg9: memref<1024xi32, #tpu.memory_space<vmem>>, %arg10: memref<!tpu.dma_semaphore, #tpu.memory_space<semaphore_mem>>, %arg11: memref<!tpu.dma_semaphore, #tpu.memory_space<semaphore_mem>>) attributes {dimension_semantics = [#tpu.dimension_semantics<core_parallel>, #tpu.dimension_semantics<subcore_parallel>], iteration_bounds = array<i64: 2, 16>, scalar_prefetch = 0 : i64, scratch_operands = 8 : i64, tpu.core_type = #tpu.core_type<sc_vector_subcore>, window_params = [{transform_indices = #map}, {transform_indices = #map}]} {
    %mul3A = arith.constant 2 : i32
    %mul3A_0 = arith.muli %arg1, %mul3A : i32
    %add3A = arith.addi %mul3A_0, %arg0 : i32
    %broadcast_in_dim3A = arith.constant 0.000000e+00 : f32
    %broadcast_in_dim3A_1 = vector.broadcast %broadcast_in_dim3A : f32 to vector<16xf32>
    %broadcast_in_dim3A_2 = arith.constant 1.000000e+00 : f32
    %broadcast_in_dim3A_3 = vector.broadcast %broadcast_in_dim3A_2 : f32 to vector<16xf32>
    %iota3A = tpu.iota {dimensions = array<i32: 0>} : vector<16xi32>
    %scan3A = arith.constant 0 : i32
    %scan3A_4 = arith.constant 0 : i32
    %scan3A_5 = arith.constant 32 : i32
    %scan3A_6 = arith.addi %scan3A_4, %scan3A_5 : i32
    %scan3A_7 = arith.constant 1 : i32
    scf.for %scan3A_55 = %scan3A_4 to %scan3A_6 step %scan3A_7  : i32 {
      %swap3A = arith.index_cast %scan3A_55 : i32 to index
      %swap3A_56 = arith.constant 0 : index
      %swap3A_57 = tpu.vector_load %arg6[%swap3A, %swap3A_56] {strides = array<i32>} : memref<32x1024xf32, #tpu.memory_space<vmem>>, vector<16xf32>,
      tpu.vector_store %arg6[%swap3A, %swap3A_56], %broadcast_in_dim3A_1 {strides = array<i32>} : memref<32x1024xf32, #tpu.memory_space<vmem>>, vector<16xf32>,
      %swap3A_58 = arith.index_cast %scan3A_55 : i32 to index
      %swap3A_59 = arith.constant 16 : index
      %swap3A_60 = tpu.vector_load %arg6[%swap3A_58, %swap3A_59] {strides = array<i32>} : memref<32x1024xf32, #tpu.memory_space<vmem>>, vector<16xf32>,
      tpu.vector_store %arg6[%swap3A_58, %swap3A_59], %broadcast_in_dim3A_1 {strides = array<i32>} : memref<32x1024xf32, #tpu.memory_space<vmem>>, vector<16xf32>,
      %swap3A_61 = arith.index_cast %scan3A_55 : i32 to index
      %swap3A_62 = arith.constant 32 : index
      %swap3A_63 = tpu.vector_load %arg6[%swap3A_61, %swap3A_62] {strides = array<i32>} : memref<32x1024xf32, #tpu.memory_space<vmem>>, vector<16xf32>,
      tpu.vector_store %arg6[%swap3A_61, %swap3A_62], %broadcast_in_dim3A_1 {strides = array<i32>} : memref<32x1024xf32, #tpu.memory_space<vmem>>, vector<16xf32>,
      %swap3A_64 = arith.index_cast %scan3A_55 : i32 to index
      %swap3A_65 = arith.constant 48 : index
      %swap3A_66 = tpu.vector_load %arg6[%swap3A_64, %swap3A_65] {strides = array<i32>} : memref<32x1024xf32, #tpu.memory_space<vmem>>, vector<16xf32>,
      tpu.vector_store %arg6[%swap3A_64, %swap3A_65], %broadcast_in_dim3A_1 {strides = array<i32>} : memref<32x1024xf32, #tpu.memory_space<vmem>>, vector<16xf32>,
      %swap3A_67 = arith.index_cast %scan3A_55 : i32 to index
      %swap3A_68 = arith.constant 64 : index
      %swap3A_69 = tpu.vector_load %arg6[%swap3A_67, %swap3A_68] {strides = array<i32>} : memref<32x1024xf32, #tpu.memory_space<vmem>>, vector<16xf32>,
      tpu.vector_store %arg6[%swap3A_67, %swap3A_68], %broadcast_in_dim3A_1 {strides = array<i32>} : memref<32x1024xf32, #tpu.memory_space<vmem>>, vector<16xf32>,
      %swap3A_70 = arith.index_cast %scan3A_55 : i32 to index
      %swap3A_71 = arith.constant 80 : index
      %swap3A_72 = tpu.vector_load %arg6[%swap3A_70, %swap3A_71] {strides = array<i32>} : memref<32x1024xf32, #tpu.memory_space<vmem>>, vector<16xf32>,
      tpu.vector_store %arg6[%swap3A_70, %swap3A_71], %broadcast_in_dim3A_1 {strides = array<i32>} : memref<32x1024xf32, #tpu.memory_space<vmem>>, vector<16xf32>,
      %swap3A_73 = arith.index_cast %scan3A_55 : i32 to index
      %swap3A_74 = arith.constant 96 : index
      %swap3A_75 = tpu.vector_load %arg6[%swap3A_73, %swap3A_74] {strides = array<i32>} : memref<32x1024xf32, #tpu.memory_space<vmem>>, vector<16xf32>,
      tpu.vector_store %arg6[%swap3A_73, %swap3A_74], %broadcast_in_dim3A_1 {strides = array<i32>} : memref<32x1024xf32, #tpu.memory_space<vmem>>, vector<16xf32>,
      %swap3A_76 = arith.index_cast %scan3A_55 : i32 to index
      %swap3A_77 = arith.constant 112 : index
      %swap3A_78 = tpu.vector_load %arg6[%swap3A_76, %swap3A_77] {strides = array<i32>} : memref<32x1024xf32, #tpu.memory_space<vmem>>, vector<16xf32>,
      tpu.vector_store %arg6[%swap3A_76, %swap3A_77], %broadcast_in_dim3A_1 {strides = array<i32>} : memref<32x1024xf32, #tpu.memory_space<vmem>>, vector<16xf32>,
      %swap3A_79 = arith.index_cast %scan3A_55 : i32 to index
      %swap3A_80 = arith.constant 128 : index
      %swap3A_81 = tpu.vector_load %arg6[%swap3A_79, %swap3A_80] {strides = array<i32>} : memref<32x1024xf32, #tpu.memory_space<vmem>>, vector<16xf32>,
      tpu.vector_store %arg6[%swap3A_79, %swap3A_80], %broadcast_in_dim3A_1 {strides = array<i32>} : memref<32x1024xf32, #tpu.memory_space<vmem>>, vector<16xf32>,
      %swap3A_82 = arith.index_cast %scan3A_55 : i32 to index
      %swap3A_83 = arith.constant 144 : index
      %swap3A_84 = tpu.vector_load %arg6[%swap3A_82, %swap3A_83] {strides = array<i32>} : memref<32x1024xf32, #tpu.memory_space<vmem>>, vector<16xf32>,
      tpu.vector_store %arg6[%swap3A_82, %swap3A_83], %broadcast_in_dim3A_1 {strides = array<i32>} : memref<32x1024xf32, #tpu.memory_space<vmem>>, vector<16xf32>,
      %swap3A_85 = arith.index_cast %scan3A_55 : i32 to index
      %swap3A_86 = arith.constant 160 : index
      %swap3A_87 = tpu.vector_load %arg6[%swap3A_85, %swap3A_86] {strides = array<i32>} : memref<32x1024xf32, #tpu.memory_space<vmem>>, vector<16xf32>,
      tpu.vector_store %arg6[%swap3A_85, %swap3A_86], %broadcast_in_dim3A_1 {strides = array<i32>} : memref<32x1024xf32, #tpu.memory_space<vmem>>, vector<16xf32>,
      %swap3A_88 = arith.index_cast %scan3A_55 : i32 to index
      %swap3A_89 = arith.constant 176 : index
      %swap3A_90 = tpu.vector_load %arg6[%swap3A_88, %swap3A_89] {strides = array<i32>} : memref<32x1024xf32, #tpu.memory_space<vmem>>, vector<16xf32>,
      tpu.vector_store %arg6[%swap3A_88, %swap3A_89], %broadcast_in_dim3A_1 {strides = array<i32>} : memref<32x1024xf32, #tpu.memory_space<vmem>>, vector<16xf32>,
      %swap3A_91 = arith.index_cast %scan3A_55 : i32 to index
      %swap3A_92 = arith.constant 192 : index
      %swap3A_93 = tpu.vector_load %arg6[%swap3A_91, %swap3A_92] {strides = array<i32>} : memref<32x1024xf32, #tpu.memory_space<vmem>>, vector<16xf32>,
      tpu.vector_store %arg6[%swap3A_91, %swap3A_92], %broadcast_in_dim3A_1 {strides = array<i32>} : memref<32x1024xf32, #tpu.memory_space<vmem>>, vector<16xf32>,
      %swap3A_94 = arith.index_cast %scan3A_55 : i32 to index
      %swap3A_95 = arith.constant 208 : index
      %swap3A_96 = tpu.vector_load %arg6[%swap3A_94, %swap3A_95] {strides = array<i32>} : memref<32x1024xf32, #tpu.memory_space<vmem>>, vector<16xf32>,
      tpu.vector_store %arg6[%swap3A_94, %swap3A_95], %broadcast_in_dim3A_1 {strides = array<i32>} : memref<32x1024xf32, #tpu.memory_space<vmem>>, vector<16xf32>,
      %swap3A_97 = arith.index_cast %scan3A_55 : i32 to index
      %swap3A_98 = arith.constant 224 : index
      %swap3A_99 = tpu.vector_load %arg6[%swap3A_97, %swap3A_98] {strides = array<i32>} : memref<32x1024xf32, #tpu.memory_space<vmem>>, vector<16xf32>,
      tpu.vector_store %arg6[%swap3A_97, %swap3A_98], %broadcast_in_dim3A_1 {strides = array<i32>} : memref<32x1024xf32, #tpu.memory_space<vmem>>, vector<16xf32>,
      %swap3A_100 = arith.index_cast %scan3A_55 : i32 to index
      %swap3A_101 = arith.constant 240 : index
      %swap3A_102 = tpu.vector_load %arg6[%swap3A_100, %swap3A_101] {strides = array<i32>} : memref<32x1024xf32, #tpu.memory_space<vmem>>, vector<16xf32>,
      tpu.vector_store %arg6[%swap3A_100, %swap3A_101], %broadcast_in_dim3A_1 {strides = array<i32>} : memref<32x1024xf32, #tpu.memory_space<vmem>>, vector<16xf32>,
      %swap3A_103 = arith.index_cast %scan3A_55 : i32 to index
      %swap3A_104 = arith.constant 256 : index
      %swap3A_105 = tpu.vector_load %arg6[%swap3A_103, %swap3A_104] {strides = array<i32>} : memref<32x1024xf32, #tpu.memory_space<vmem>>, vector<16xf32>,
      tpu.vector_store %arg6[%swap3A_103, %swap3A_104], %broadcast_in_dim3A_1 {strides = array<i32>} : memref<32x1024xf32, #tpu.memory_space<vmem>>, vector<16xf32>,
      %swap3A_106 = arith.index_cast %scan3A_55 : i32 to index
      %swap3A_107 = arith.constant 272 : index
      %swap3A_108 = tpu.vector_load %arg6[%swap3A_106, %swap3A_107] {strides = array<i32>} : memref<32x1024xf32, #tpu.memory_space<vmem>>, vector<16xf32>,
      tpu.vector_store %arg6[%swap3A_106, %swap3A_107], %broadcast_in_dim3A_1 {strides = array<i32>} : memref<32x1024xf32, #tpu.memory_space<vmem>>, vector<16xf32>,
      %swap3A_109 = arith.index_cast %scan3A_55 : i32 to index
      %swap3A_110 = arith.constant 288 : index
      %swap3A_111 = tpu.vector_load %arg6[%swap3A_109, %swap3A_110] {strides = array<i32>} : memref<32x1024xf32, #tpu.memory_space<vmem>>, vector<16xf32>,
      tpu.vector_store %arg6[%swap3A_109, %swap3A_110], %broadcast_in_dim3A_1 {strides = array<i32>} : memref<32x1024xf32, #tpu.memory_space<vmem>>, vector<16xf32>,
      %swap3A_112 = arith.index_cast %scan3A_55 : i32 to index
      %swap3A_113 = arith.constant 304 : index
      %swap3A_114 = tpu.vector_load %arg6[%swap3A_112, %swap3A_113] {strides = array<i32>} : memref<32x1024xf32, #tpu.memory_space<vmem>>, vector<16xf32>,
      tpu.vector_store %arg6[%swap3A_112, %swap3A_113], %broadcast_in_dim3A_1 {strides = array<i32>} : memref<32x1024xf32, #tpu.memory_space<vmem>>, vector<16xf32>,
      %swap3A_115 = arith.index_cast %scan3A_55 : i32 to index
      %swap3A_116 = arith.constant 320 : index
      %swap3A_117 = tpu.vector_load %arg6[%swap3A_115, %swap3A_116] {strides = array<i32>} : memref<32x1024xf32, #tpu.memory_space<vmem>>, vector<16xf32>,
      tpu.vector_store %arg6[%swap3A_115, %swap3A_116], %broadcast_in_dim3A_1 {strides = array<i32>} : memref<32x1024xf32, #tpu.memory_space<vmem>>, vector<16xf32>,
      %swap3A_118 = arith.index_cast %scan3A_55 : i32 to index
      %swap3A_119 = arith.constant 336 : index
      %swap3A_120 = tpu.vector_load %arg6[%swap3A_118, %swap3A_119] {strides = array<i32>} : memref<32x1024xf32, #tpu.memory_space<vmem>>, vector<16xf32>,
      tpu.vector_store %arg6[%swap3A_118, %swap3A_119], %broadcast_in_dim3A_1 {strides = array<i32>} : memref<32x1024xf32, #tpu.memory_space<vmem>>, vector<16xf32>,
      %swap3A_121 = arith.index_cast %scan3A_55 : i32 to index
      %swap3A_122 = arith.constant 352 : index
      %swap3A_123 = tpu.vector_load %arg6[%swap3A_121, %swap3A_122] {strides = array<i32>} : memref<32x1024xf32, #tpu.memory_space<vmem>>, vector<16xf32>,
      tpu.vector_store %arg6[%swap3A_121, %swap3A_122], %broadcast_in_dim3A_1 {strides = array<i32>} : memref<32x1024xf32, #tpu.memory_space<vmem>>, vector<16xf32>,
      %swap3A_124 = arith.index_cast %scan3A_55 : i32 to index
      %swap3A_125 = arith.constant 368 : index
      %swap3A_126 = tpu.vector_load %arg6[%swap3A_124, %swap3A_125] {strides = array<i32>} : memref<32x1024xf32, #tpu.memory_space<vmem>>, vector<16xf32>,
      tpu.vector_store %arg6[%swap3A_124, %swap3A_125], %broadcast_in_dim3A_1 {strides = array<i32>} : memref<32x1024xf32, #tpu.memory_space<vmem>>, vector<16xf32>,
      %swap3A_127 = arith.index_cast %scan3A_55 : i32 to index
      %swap3A_128 = arith.constant 384 : index
      %swap3A_129 = tpu.vector_load %arg6[%swap3A_127, %swap3A_128] {strides = array<i32>} : memref<32x1024xf32, #tpu.memory_space<vmem>>, vector<16xf32>,
      tpu.vector_store %arg6[%swap3A_127, %swap3A_128], %broadcast_in_dim3A_1 {strides = array<i32>} : memref<32x1024xf32, #tpu.memory_space<vmem>>, vector<16xf32>,
      %swap3A_130 = arith.index_cast %scan3A_55 : i32 to index
      %swap3A_131 = arith.constant 400 : index
      %swap3A_132 = tpu.vector_load %arg6[%swap3A_130, %swap3A_131] {strides = array<i32>} : memref<32x1024xf32, #tpu.memory_space<vmem>>, vector<16xf32>,
      tpu.vector_store %arg6[%swap3A_130, %swap3A_131], %broadcast_in_dim3A_1 {strides = array<i32>} : memref<32x1024xf32, #tpu.memory_space<vmem>>, vector<16xf32>,
      %swap3A_133 = arith.index_cast %scan3A_55 : i32 to index
      %swap3A_134 = arith.constant 416 : index
      %swap3A_135 = tpu.vector_load %arg6[%swap3A_133, %swap3A_134] {strides = array<i32>} : memref<32x1024xf32, #tpu.memory_space<vmem>>, vector<16xf32>,
      tpu.vector_store %arg6[%swap3A_133, %swap3A_134], %broadcast_in_dim3A_1 {strides = array<i32>} : memref<32x1024xf32, #tpu.memory_space<vmem>>, vector<16xf32>,
      %swap3A_136 = arith.index_cast %scan3A_55 : i32 to index
      %swap3A_137 = arith.constant 432 : index
      %swap3A_138 = tpu.vector_load %arg6[%swap3A_136, %swap3A_137] {strides = array<i32>} : memref<32x1024xf32, #tpu.memory_space<vmem>>, vector<16xf32>,
      tpu.vector_store %arg6[%swap3A_136, %swap3A_137], %broadcast_in_dim3A_1 {strides = array<i32>} : memref<32x1024xf32, #tpu.memory_space<vmem>>, vector<16xf32>,
      %swap3A_139 = arith.index_cast %scan3A_55 : i32 to index
      %swap3A_140 = arith.constant 448 : index
      %swap3A_141 = tpu.vector_load %arg6[%swap3A_139, %swap3A_140] {strides = array<i32>} : memref<32x1024xf32, #tpu.memory_space<vmem>>, vector<16xf32>,
      tpu.vector_store %arg6[%swap3A_139, %swap3A_140], %broadcast_in_dim3A_1 {strides = array<i32>} : memref<32x1024xf32, #tpu.memory_space<vmem>>, vector<16xf32>,
      %swap3A_142 = arith.index_cast %scan3A_55 : i32 to index
      %swap3A_143 = arith.constant 464 : index
      %swap3A_144 = tpu.vector_load %arg6[%swap3A_142, %swap3A_143] {strides = array<i32>} : memref<32x1024xf32, #tpu.memory_space<vmem>>, vector<16xf32>,
      tpu.vector_store %arg6[%swap3A_142, %swap3A_143], %broadcast_in_dim3A_1 {strides = array<i32>} : memref<32x1024xf32, #tpu.memory_space<vmem>>, vector<16xf32>,
      %swap3A_145 = arith.index_cast %scan3A_55 : i32 to index
      %swap3A_146 = arith.constant 480 : index
      %swap3A_147 = tpu.vector_load %arg6[%swap3A_145, %swap3A_146] {strides = array<i32>} : memref<32x1024xf32, #tpu.memory_space<vmem>>, vector<16xf32>,
      tpu.vector_store %arg6[%swap3A_145, %swap3A_146], %broadcast_in_dim3A_1 {strides = array<i32>} : memref<32x1024xf32, #tpu.memory_space<vmem>>, vector<16xf32>,
      %swap3A_148 = arith.index_cast %scan3A_55 : i32 to index
      %swap3A_149 = arith.constant 496 : index
      %swap3A_150 = tpu.vector_load %arg6[%swap3A_148, %swap3A_149] {strides = array<i32>} : memref<32x1024xf32, #tpu.memory_space<vmem>>, vector<16xf32>,
      tpu.vector_store %arg6[%swap3A_148, %swap3A_149], %broadcast_in_dim3A_1 {strides = array<i32>} : memref<32x1024xf32, #tpu.memory_space<vmem>>, vector<16xf32>,
      %swap3A_151 = arith.index_cast %scan3A_55 : i32 to index
      %swap3A_152 = arith.constant 512 : index
      %swap3A_153 = tpu.vector_load %arg6[%swap3A_151, %swap3A_152] {strides = array<i32>} : memref<32x1024xf32, #tpu.memory_space<vmem>>, vector<16xf32>,
      tpu.vector_store %arg6[%swap3A_151, %swap3A_152], %broadcast_in_dim3A_1 {strides = array<i32>} : memref<32x1024xf32, #tpu.memory_space<vmem>>, vector<16xf32>,
      %swap3A_154 = arith.index_cast %scan3A_55 : i32 to index
      %swap3A_155 = arith.constant 528 : index
      %swap3A_156 = tpu.vector_load %arg6[%swap3A_154, %swap3A_155] {strides = array<i32>} : memref<32x1024xf32, #tpu.memory_space<vmem>>, vector<16xf32>,
      tpu.vector_store %arg6[%swap3A_154, %swap3A_155], %broadcast_in_dim3A_1 {strides = array<i32>} : memref<32x1024xf32, #tpu.memory_space<vmem>>, vector<16xf32>,
      %swap3A_157 = arith.index_cast %scan3A_55 : i32 to index
      %swap3A_158 = arith.constant 544 : index
      %swap3A_159 = tpu.vector_load %arg6[%swap3A_157, %swap3A_158] {strides = array<i32>} : memref<32x1024xf32, #tpu.memory_space<vmem>>, vector<16xf32>,
      tpu.vector_store %arg6[%swap3A_157, %swap3A_158], %broadcast_in_dim3A_1 {strides = array<i32>} : memref<32x1024xf32, #tpu.memory_space<vmem>>, vector<16xf32>,
      %swap3A_160 = arith.index_cast %scan3A_55 : i32 to index
      %swap3A_161 = arith.constant 560 : index
      %swap3A_162 = tpu.vector_load %arg6[%swap3A_160, %swap3A_161] {strides = array<i32>} : memref<32x1024xf32, #tpu.memory_space<vmem>>, vector<16xf32>,
      tpu.vector_store %arg6[%swap3A_160, %swap3A_161], %broadcast_in_dim3A_1 {strides = array<i32>} : memref<32x1024xf32, #tpu.memory_space<vmem>>, vector<16xf32>,
      %swap3A_163 = arith.index_cast %scan3A_55 : i32 to index
      %swap3A_164 = arith.constant 576 : index
      %swap3A_165 = tpu.vector_load %arg6[%swap3A_163, %swap3A_164] {strides = array<i32>} : memref<32x1024xf32, #tpu.memory_space<vmem>>, vector<16xf32>,
      tpu.vector_store %arg6[%swap3A_163, %swap3A_164], %broadcast_in_dim3A_1 {strides = array<i32>} : memref<32x1024xf32, #tpu.memory_space<vmem>>, vector<16xf32>,
      %swap3A_166 = arith.index_cast %scan3A_55 : i32 to index
      %swap3A_167 = arith.constant 592 : index
      %swap3A_168 = tpu.vector_load %arg6[%swap3A_166, %swap3A_167] {strides = array<i32>} : memref<32x1024xf32, #tpu.memory_space<vmem>>, vector<16xf32>,
      tpu.vector_store %arg6[%swap3A_166, %swap3A_167], %broadcast_in_dim3A_1 {strides = array<i32>} : memref<32x1024xf32, #tpu.memory_space<vmem>>, vector<16xf32>,
      %swap3A_169 = arith.index_cast %scan3A_55 : i32 to index
      %swap3A_170 = arith.constant 608 : index
      %swap3A_171 = tpu.vector_load %arg6[%swap3A_169, %swap3A_170] {strides = array<i32>} : memref<32x1024xf32, #tpu.memory_space<vmem>>, vector<16xf32>,
      tpu.vector_store %arg6[%swap3A_169, %swap3A_170], %broadcast_in_dim3A_1 {strides = array<i32>} : memref<32x1024xf32, #tpu.memory_space<vmem>>, vector<16xf32>,
      %swap3A_172 = arith.index_cast %scan3A_55 : i32 to index
      %swap3A_173 = arith.constant 624 : index
      %swap3A_174 = tpu.vector_load %arg6[%swap3A_172, %swap3A_173] {strides = array<i32>} : memref<32x1024xf32, #tpu.memory_space<vmem>>, vector<16xf32>,
      tpu.vector_store %arg6[%swap3A_172, %swap3A_173], %broadcast_in_dim3A_1 {strides = array<i32>} : memref<32x1024xf32, #tpu.memory_space<vmem>>, vector<16xf32>,
      %swap3A_175 = arith.index_cast %scan3A_55 : i32 to index
      %swap3A_176 = arith.constant 640 : index
      %swap3A_177 = tpu.vector_load %arg6[%swap3A_175, %swap3A_176] {strides = array<i32>} : memref<32x1024xf32, #tpu.memory_space<vmem>>, vector<16xf32>,
      tpu.vector_store %arg6[%swap3A_175, %swap3A_176], %broadcast_in_dim3A_1 {strides = array<i32>} : memref<32x1024xf32, #tpu.memory_space<vmem>>, vector<16xf32>,
      %swap3A_178 = arith.index_cast %scan3A_55 : i32 to index
      %swap3A_179 = arith.constant 656 : index
      %swap3A_180 = tpu.vector_load %arg6[%swap3A_178, %swap3A_179] {strides = array<i32>} : memref<32x1024xf32, #tpu.memory_space<vmem>>, vector<16xf32>,
      tpu.vector_store %arg6[%swap3A_178, %swap3A_179], %broadcast_in_dim3A_1 {strides = array<i32>} : memref<32x1024xf32, #tpu.memory_space<vmem>>, vector<16xf32>,
      %swap3A_181 = arith.index_cast %scan3A_55 : i32 to index
      %swap3A_182 = arith.constant 672 : index
      %swap3A_183 = tpu.vector_load %arg6[%swap3A_181, %swap3A_182] {strides = array<i32>} : memref<32x1024xf32, #tpu.memory_space<vmem>>, vector<16xf32>,
      tpu.vector_store %arg6[%swap3A_181, %swap3A_182], %broadcast_in_dim3A_1 {strides = array<i32>} : memref<32x1024xf32, #tpu.memory_space<vmem>>, vector<16xf32>,
      %swap3A_184 = arith.index_cast %scan3A_55 : i32 to index
      %swap3A_185 = arith.constant 688 : index
      %swap3A_186 = tpu.vector_load %arg6[%swap3A_184, %swap3A_185] {strides = array<i32>} : memref<32x1024xf32, #tpu.memory_space<vmem>>, vector<16xf32>,
      tpu.vector_store %arg6[%swap3A_184, %swap3A_185], %broadcast_in_dim3A_1 {strides = array<i32>} : memref<32x1024xf32, #tpu.memory_space<vmem>>, vector<16xf32>,
      %swap3A_187 = arith.index_cast %scan3A_55 : i32 to index
      %swap3A_188 = arith.constant 704 : index
      %swap3A_189 = tpu.vector_load %arg6[%swap3A_187, %swap3A_188] {strides = array<i32>} : memref<32x1024xf32, #tpu.memory_space<vmem>>, vector<16xf32>,
      tpu.vector_store %arg6[%swap3A_187, %swap3A_188], %broadcast_in_dim3A_1 {strides = array<i32>} : memref<32x1024xf32, #tpu.memory_space<vmem>>, vector<16xf32>,
      %swap3A_190 = arith.index_cast %scan3A_55 : i32 to index
      %swap3A_191 = arith.constant 720 : index
      %swap3A_192 = tpu.vector_load %arg6[%swap3A_190, %swap3A_191] {strides = array<i32>} : memref<32x1024xf32, #tpu.memory_space<vmem>>, vector<16xf32>,
      tpu.vector_store %arg6[%swap3A_190, %swap3A_191], %broadcast_in_dim3A_1 {strides = array<i32>} : memref<32x1024xf32, #tpu.memory_space<vmem>>, vector<16xf32>,
      %swap3A_193 = arith.index_cast %scan3A_55 : i32 to index
      %swap3A_194 = arith.constant 736 : index
      %swap3A_195 = tpu.vector_load %arg6[%swap3A_193, %swap3A_194] {strides = array<i32>} : memref<32x1024xf32, #tpu.memory_space<vmem>>, vector<16xf32>,
      tpu.vector_store %arg6[%swap3A_193, %swap3A_194], %broadcast_in_dim3A_1 {strides = array<i32>} : memref<32x1024xf32, #tpu.memory_space<vmem>>, vector<16xf32>,
      %swap3A_196 = arith.index_cast %scan3A_55 : i32 to index
      %swap3A_197 = arith.constant 752 : index
      %swap3A_198 = tpu.vector_load %arg6[%swap3A_196, %swap3A_197] {strides = array<i32>} : memref<32x1024xf32, #tpu.memory_space<vmem>>, vector<16xf32>,
      tpu.vector_store %arg6[%swap3A_196, %swap3A_197], %broadcast_in_dim3A_1 {strides = array<i32>} : memref<32x1024xf32, #tpu.memory_space<vmem>>, vector<16xf32>,
      %swap3A_199 = arith.index_cast %scan3A_55 : i32 to index
      %swap3A_200 = arith.constant 768 : index
      %swap3A_201 = tpu.vector_load %arg6[%swap3A_199, %swap3A_200] {strides = array<i32>} : memref<32x1024xf32, #tpu.memory_space<vmem>>, vector<16xf32>,
      tpu.vector_store %arg6[%swap3A_199, %swap3A_200], %broadcast_in_dim3A_1 {strides = array<i32>} : memref<32x1024xf32, #tpu.memory_space<vmem>>, vector<16xf32>,
      %swap3A_202 = arith.index_cast %scan3A_55 : i32 to index
      %swap3A_203 = arith.constant 784 : index
      %swap3A_204 = tpu.vector_load %arg6[%swap3A_202, %swap3A_203] {strides = array<i32>} : memref<32x1024xf32, #tpu.memory_space<vmem>>, vector<16xf32>,
      tpu.vector_store %arg6[%swap3A_202, %swap3A_203], %broadcast_in_dim3A_1 {strides = array<i32>} : memref<32x1024xf32, #tpu.memory_space<vmem>>, vector<16xf32>,
      %swap3A_205 = arith.index_cast %scan3A_55 : i32 to index
      %swap3A_206 = arith.constant 800 : index
      %swap3A_207 = tpu.vector_load %arg6[%swap3A_205, %swap3A_206] {strides = array<i32>} : memref<32x1024xf32, #tpu.memory_space<vmem>>, vector<16xf32>,
      tpu.vector_store %arg6[%swap3A_205, %swap3A_206], %broadcast_in_dim3A_1 {strides = array<i32>} : memref<32x1024xf32, #tpu.memory_space<vmem>>, vector<16xf32>,
      %swap3A_208 = arith.index_cast %scan3A_55 : i32 to index
      %swap3A_209 = arith.constant 816 : index
      %swap3A_210 = tpu.vector_load %arg6[%swap3A_208, %swap3A_209] {strides = array<i32>} : memref<32x1024xf32, #tpu.memory_space<vmem>>, vector<16xf32>,
      tpu.vector_store %arg6[%swap3A_208, %swap3A_209], %broadcast_in_dim3A_1 {strides = array<i32>} : memref<32x1024xf32, #tpu.memory_space<vmem>>, vector<16xf32>,
      %swap3A_211 = arith.index_cast %scan3A_55 : i32 to index
      %swap3A_212 = arith.constant 832 : index
      %swap3A_213 = tpu.vector_load %arg6[%swap3A_211, %swap3A_212] {strides = array<i32>} : memref<32x1024xf32, #tpu.memory_space<vmem>>, vector<16xf32>,
      tpu.vector_store %arg6[%swap3A_211, %swap3A_212], %broadcast_in_dim3A_1 {strides = array<i32>} : memref<32x1024xf32, #tpu.memory_space<vmem>>, vector<16xf32>,
      %swap3A_214 = arith.index_cast %scan3A_55 : i32 to index
      %swap3A_215 = arith.constant 848 : index
      %swap3A_216 = tpu.vector_load %arg6[%swap3A_214, %swap3A_215] {strides = array<i32>} : memref<32x1024xf32, #tpu.memory_space<vmem>>, vector<16xf32>,
      tpu.vector_store %arg6[%swap3A_214, %swap3A_215], %broadcast_in_dim3A_1 {strides = array<i32>} : memref<32x1024xf32, #tpu.memory_space<vmem>>, vector<16xf32>,
      %swap3A_217 = arith.index_cast %scan3A_55 : i32 to index
      %swap3A_218 = arith.constant 864 : index
      %swap3A_219 = tpu.vector_load %arg6[%swap3A_217, %swap3A_218] {strides = array<i32>} : memref<32x1024xf32, #tpu.memory_space<vmem>>, vector<16xf32>,
      tpu.vector_store %arg6[%swap3A_217, %swap3A_218], %broadcast_in_dim3A_1 {strides = array<i32>} : memref<32x1024xf32, #tpu.memory_space<vmem>>, vector<16xf32>,
      %swap3A_220 = arith.index_cast %scan3A_55 : i32 to index
      %swap3A_221 = arith.constant 880 : index
      %swap3A_222 = tpu.vector_load %arg6[%swap3A_220, %swap3A_221] {strides = array<i32>} : memref<32x1024xf32, #tpu.memory_space<vmem>>, vector<16xf32>,
      tpu.vector_store %arg6[%swap3A_220, %swap3A_221], %broadcast_in_dim3A_1 {strides = array<i32>} : memref<32x1024xf32, #tpu.memory_space<vmem>>, vector<16xf32>,
      %swap3A_223 = arith.index_cast %scan3A_55 : i32 to index
      %swap3A_224 = arith.constant 896 : index
      %swap3A_225 = tpu.vector_load %arg6[%swap3A_223, %swap3A_224] {strides = array<i32>} : memref<32x1024xf32, #tpu.memory_space<vmem>>, vector<16xf32>,
      tpu.vector_store %arg6[%swap3A_223, %swap3A_224], %broadcast_in_dim3A_1 {strides = array<i32>} : memref<32x1024xf32, #tpu.memory_space<vmem>>, vector<16xf32>,
      %swap3A_226 = arith.index_cast %scan3A_55 : i32 to index
      %swap3A_227 = arith.constant 912 : index
      %swap3A_228 = tpu.vector_load %arg6[%swap3A_226, %swap3A_227] {strides = array<i32>} : memref<32x1024xf32, #tpu.memory_space<vmem>>, vector<16xf32>,
      tpu.vector_store %arg6[%swap3A_226, %swap3A_227], %broadcast_in_dim3A_1 {strides = array<i32>} : memref<32x1024xf32, #tpu.memory_space<vmem>>, vector<16xf32>,
      %swap3A_229 = arith.index_cast %scan3A_55 : i32 to index
      %swap3A_230 = arith.constant 928 : index
      %swap3A_231 = tpu.vector_load %arg6[%swap3A_229, %swap3A_230] {strides = array<i32>} : memref<32x1024xf32, #tpu.memory_space<vmem>>, vector<16xf32>,
      tpu.vector_store %arg6[%swap3A_229, %swap3A_230], %broadcast_in_dim3A_1 {strides = array<i32>} : memref<32x1024xf32, #tpu.memory_space<vmem>>, vector<16xf32>,
      %swap3A_232 = arith.index_cast %scan3A_55 : i32 to index
      %swap3A_233 = arith.constant 944 : index
      %swap3A_234 = tpu.vector_load %arg6[%swap3A_232, %swap3A_233] {strides = array<i32>} : memref<32x1024xf32, #tpu.memory_space<vmem>>, vector<16xf32>,
      tpu.vector_store %arg6[%swap3A_232, %swap3A_233], %broadcast_in_dim3A_1 {strides = array<i32>} : memref<32x1024xf32, #tpu.memory_space<vmem>>, vector<16xf32>,
      %swap3A_235 = arith.index_cast %scan3A_55 : i32 to index
      %swap3A_236 = arith.constant 960 : index
      %swap3A_237 = tpu.vector_load %arg6[%swap3A_235, %swap3A_236] {strides = array<i32>} : memref<32x1024xf32, #tpu.memory_space<vmem>>, vector<16xf32>,
      tpu.vector_store %arg6[%swap3A_235, %swap3A_236], %broadcast_in_dim3A_1 {strides = array<i32>} : memref<32x1024xf32, #tpu.memory_space<vmem>>, vector<16xf32>,
      %swap3A_238 = arith.index_cast %scan3A_55 : i32 to index
      %swap3A_239 = arith.constant 976 : index
      %swap3A_240 = tpu.vector_load %arg6[%swap3A_238, %swap3A_239] {strides = array<i32>} : memref<32x1024xf32, #tpu.memory_space<vmem>>, vector<16xf32>,
      tpu.vector_store %arg6[%swap3A_238, %swap3A_239], %broadcast_in_dim3A_1 {strides = array<i32>} : memref<32x1024xf32, #tpu.memory_space<vmem>>, vector<16xf32>,
      %swap3A_241 = arith.index_cast %scan3A_55 : i32 to index
      %swap3A_242 = arith.constant 992 : index
      %swap3A_243 = tpu.vector_load %arg6[%swap3A_241, %swap3A_242] {strides = array<i32>} : memref<32x1024xf32, #tpu.memory_space<vmem>>, vector<16xf32>,
      tpu.vector_store %arg6[%swap3A_241, %swap3A_242], %broadcast_in_dim3A_1 {strides = array<i32>} : memref<32x1024xf32, #tpu.memory_space<vmem>>, vector<16xf32>,
      %swap3A_244 = arith.index_cast %scan3A_55 : i32 to index
      %swap3A_245 = arith.constant 1008 : index
      %swap3A_246 = tpu.vector_load %arg6[%swap3A_244, %swap3A_245] {strides = array<i32>} : memref<32x1024xf32, #tpu.memory_space<vmem>>, vector<16xf32>,
      tpu.vector_store %arg6[%swap3A_244, %swap3A_245], %broadcast_in_dim3A_1 {strides = array<i32>} : memref<32x1024xf32, #tpu.memory_space<vmem>>, vector<16xf32>,
    }
    %scan3A_8 = arith.constant 32 : i32
    %scan3A_9 = arith.constant 0 : i32
    %scan3A_10 = arith.constant 0 : i32
    %scan3A_11 = arith.constant 32 : i32
    %scan3A_12 = arith.addi %scan3A_10, %scan3A_11 : i32
    %scan3A_13 = arith.constant 1 : i32
    scf.for %scan3A_55 = %scan3A_10 to %scan3A_12 step %scan3A_13  : i32 {
      %swap3A = arith.index_cast %scan3A_55 : i32 to index
      %swap3A_56 = arith.constant 0 : index
      %swap3A_57 = tpu.vector_load %arg7[%swap3A, %swap3A_56] {strides = array<i32>} : memref<32x1024xf32, #tpu.memory_space<vmem>>, vector<16xf32>,
      tpu.vector_store %arg7[%swap3A, %swap3A_56], %broadcast_in_dim3A_1 {strides = array<i32>} : memref<32x1024xf32, #tpu.memory_space<vmem>>, vector<16xf32>,
      %swap3A_58 = arith.index_cast %scan3A_55 : i32 to index
      %swap3A_59 = arith.constant 16 : index
      %swap3A_60 = tpu.vector_load %arg7[%swap3A_58, %swap3A_59] {strides = array<i32>} : memref<32x1024xf32, #tpu.memory_space<vmem>>, vector<16xf32>,
      tpu.vector_store %arg7[%swap3A_58, %swap3A_59], %broadcast_in_dim3A_1 {strides = array<i32>} : memref<32x1024xf32, #tpu.memory_space<vmem>>, vector<16xf32>,
      %swap3A_61 = arith.index_cast %scan3A_55 : i32 to index
      %swap3A_62 = arith.constant 32 : index
      %swap3A_63 = tpu.vector_load %arg7[%swap3A_61, %swap3A_62] {strides = array<i32>} : memref<32x1024xf32, #tpu.memory_space<vmem>>, vector<16xf32>,
      tpu.vector_store %arg7[%swap3A_61, %swap3A_62], %broadcast_in_dim3A_1 {strides = array<i32>} : memref<32x1024xf32, #tpu.memory_space<vmem>>, vector<16xf32>,
      %swap3A_64 = arith.index_cast %scan3A_55 : i32 to index
      %swap3A_65 = arith.constant 48 : index
      %swap3A_66 = tpu.vector_load %arg7[%swap3A_64, %swap3A_65] {strides = array<i32>} : memref<32x1024xf32, #tpu.memory_space<vmem>>, vector<16xf32>,
      tpu.vector_store %arg7[%swap3A_64, %swap3A_65], %broadcast_in_dim3A_1 {strides = array<i32>} : memref<32x1024xf32, #tpu.memory_space<vmem>>, vector<16xf32>,
      %swap3A_67 = arith.index_cast %scan3A_55 : i32 to index
      %swap3A_68 = arith.constant 64 : index
      %swap3A_69 = tpu.vector_load %arg7[%swap3A_67, %swap3A_68] {strides = array<i32>} : memref<32x1024xf32, #tpu.memory_space<vmem>>, vector<16xf32>,
      tpu.vector_store %arg7[%swap3A_67, %swap3A_68], %broadcast_in_dim3A_1 {strides = array<i32>} : memref<32x1024xf32, #tpu.memory_space<vmem>>, vector<16xf32>,
      %swap3A_70 = arith.index_cast %scan3A_55 : i32 to index
      %swap3A_71 = arith.constant 80 : index
      %swap3A_72 = tpu.vector_load %arg7[%swap3A_70, %swap3A_71] {strides = array<i32>} : memref<32x1024xf32, #tpu.memory_space<vmem>>, vector<16xf32>,
      tpu.vector_store %arg7[%swap3A_70, %swap3A_71], %broadcast_in_dim3A_1 {strides = array<i32>} : memref<32x1024xf32, #tpu.memory_space<vmem>>, vector<16xf32>,
      %swap3A_73 = arith.index_cast %scan3A_55 : i32 to index
      %swap3A_74 = arith.constant 96 : index
      %swap3A_75 = tpu.vector_load %arg7[%swap3A_73, %swap3A_74] {strides = array<i32>} : memref<32x1024xf32, #tpu.memory_space<vmem>>, vector<16xf32>,
      tpu.vector_store %arg7[%swap3A_73, %swap3A_74], %broadcast_in_dim3A_1 {strides = array<i32>} : memref<32x1024xf32, #tpu.memory_space<vmem>>, vector<16xf32>,
      %swap3A_76 = arith.index_cast %scan3A_55 : i32 to index
      %swap3A_77 = arith.constant 112 : index
      %swap3A_78 = tpu.vector_load %arg7[%swap3A_76, %swap3A_77] {strides = array<i32>} : memref<32x1024xf32, #tpu.memory_space<vmem>>, vector<16xf32>,
      tpu.vector_store %arg7[%swap3A_76, %swap3A_77], %broadcast_in_dim3A_1 {strides = array<i32>} : memref<32x1024xf32, #tpu.memory_space<vmem>>, vector<16xf32>,
      %swap3A_79 = arith.index_cast %scan3A_55 : i32 to index
      %swap3A_80 = arith.constant 128 : index
      %swap3A_81 = tpu.vector_load %arg7[%swap3A_79, %swap3A_80] {strides = array<i32>} : memref<32x1024xf32, #tpu.memory_space<vmem>>, vector<16xf32>,
      tpu.vector_store %arg7[%swap3A_79, %swap3A_80], %broadcast_in_dim3A_1 {strides = array<i32>} : memref<32x1024xf32, #tpu.memory_space<vmem>>, vector<16xf32>,
      %swap3A_82 = arith.index_cast %scan3A_55 : i32 to index
      %swap3A_83 = arith.constant 144 : index
      %swap3A_84 = tpu.vector_load %arg7[%swap3A_82, %swap3A_83] {strides = array<i32>} : memref<32x1024xf32, #tpu.memory_space<vmem>>, vector<16xf32>,
      tpu.vector_store %arg7[%swap3A_82, %swap3A_83], %broadcast_in_dim3A_1 {strides = array<i32>} : memref<32x1024xf32, #tpu.memory_space<vmem>>, vector<16xf32>,
      %swap3A_85 = arith.index_cast %scan3A_55 : i32 to index
      %swap3A_86 = arith.constant 160 : index
      %swap3A_87 = tpu.vector_load %arg7[%swap3A_85, %swap3A_86] {strides = array<i32>} : memref<32x1024xf32, #tpu.memory_space<vmem>>, vector<16xf32>,
      tpu.vector_store %arg7[%swap3A_85, %swap3A_86], %broadcast_in_dim3A_1 {strides = array<i32>} : memref<32x1024xf32, #tpu.memory_space<vmem>>, vector<16xf32>,
      %swap3A_88 = arith.index_cast %scan3A_55 : i32 to index
      %swap3A_89 = arith.constant 176 : index
      %swap3A_90 = tpu.vector_load %arg7[%swap3A_88, %swap3A_89] {strides = array<i32>} : memref<32x1024xf32, #tpu.memory_space<vmem>>, vector<16xf32>,
      tpu.vector_store %arg7[%swap3A_88, %swap3A_89], %broadcast_in_dim3A_1 {strides = array<i32>} : memref<32x1024xf32, #tpu.memory_space<vmem>>, vector<16xf32>,
      %swap3A_91 = arith.index_cast %scan3A_55 : i32 to index
      %swap3A_92 = arith.constant 192 : index
      %swap3A_93 = tpu.vector_load %arg7[%swap3A_91, %swap3A_92] {strides = array<i32>} : memref<32x1024xf32, #tpu.memory_space<vmem>>, vector<16xf32>,
      tpu.vector_store %arg7[%swap3A_91, %swap3A_92], %broadcast_in_dim3A_1 {strides = array<i32>} : memref<32x1024xf32, #tpu.memory_space<vmem>>, vector<16xf32>,
      %swap3A_94 = arith.index_cast %scan3A_55 : i32 to index
      %swap3A_95 = arith.constant 208 : index
      %swap3A_96 = tpu.vector_load %arg7[%swap3A_94, %swap3A_95] {strides = array<i32>} : memref<32x1024xf32, #tpu.memory_space<vmem>>, vector<16xf32>,
      tpu.vector_store %arg7[%swap3A_94, %swap3A_95], %broadcast_in_dim3A_1 {strides = array<i32>} : memref<32x1024xf32, #tpu.memory_space<vmem>>, vector<16xf32>,
      %swap3A_97 = arith.index_cast %scan3A_55 : i32 to index
      %swap3A_98 = arith.constant 224 : index
      %swap3A_99 = tpu.vector_load %arg7[%swap3A_97, %swap3A_98] {strides = array<i32>} : memref<32x1024xf32, #tpu.memory_space<vmem>>, vector<16xf32>,
      tpu.vector_store %arg7[%swap3A_97, %swap3A_98], %broadcast_in_dim3A_1 {strides = array<i32>} : memref<32x1024xf32, #tpu.memory_space<vmem>>, vector<16xf32>,
      %swap3A_100 = arith.index_cast %scan3A_55 : i32 to index
      %swap3A_101 = arith.constant 240 : index
      %swap3A_102 = tpu.vector_load %arg7[%swap3A_100, %swap3A_101] {strides = array<i32>} : memref<32x1024xf32, #tpu.memory_space<vmem>>, vector<16xf32>,
      tpu.vector_store %arg7[%swap3A_100, %swap3A_101], %broadcast_in_dim3A_1 {strides = array<i32>} : memref<32x1024xf32, #tpu.memory_space<vmem>>, vector<16xf32>,
      %swap3A_103 = arith.index_cast %scan3A_55 : i32 to index
      %swap3A_104 = arith.constant 256 : index
      %swap3A_105 = tpu.vector_load %arg7[%swap3A_103, %swap3A_104] {strides = array<i32>} : memref<32x1024xf32, #tpu.memory_space<vmem>>, vector<16xf32>,
      tpu.vector_store %arg7[%swap3A_103, %swap3A_104], %broadcast_in_dim3A_1 {strides = array<i32>} : memref<32x1024xf32, #tpu.memory_space<vmem>>, vector<16xf32>,
      %swap3A_106 = arith.index_cast %scan3A_55 : i32 to index
      %swap3A_107 = arith.constant 272 : index
      %swap3A_108 = tpu.vector_load %arg7[%swap3A_106, %swap3A_107] {strides = array<i32>} : memref<32x1024xf32, #tpu.memory_space<vmem>>, vector<16xf32>,
      tpu.vector_store %arg7[%swap3A_106, %swap3A_107], %broadcast_in_dim3A_1 {strides = array<i32>} : memref<32x1024xf32, #tpu.memory_space<vmem>>, vector<16xf32>,
      %swap3A_109 = arith.index_cast %scan3A_55 : i32 to index
      %swap3A_110 = arith.constant 288 : index
      %swap3A_111 = tpu.vector_load %arg7[%swap3A_109, %swap3A_110] {strides = array<i32>} : memref<32x1024xf32, #tpu.memory_space<vmem>>, vector<16xf32>,
      tpu.vector_store %arg7[%swap3A_109, %swap3A_110], %broadcast_in_dim3A_1 {strides = array<i32>} : memref<32x1024xf32, #tpu.memory_space<vmem>>, vector<16xf32>,
      %swap3A_112 = arith.index_cast %scan3A_55 : i32 to index
      %swap3A_113 = arith.constant 304 : index
      %swap3A_114 = tpu.vector_load %arg7[%swap3A_112, %swap3A_113] {strides = array<i32>} : memref<32x1024xf32, #tpu.memory_space<vmem>>, vector<16xf32>,
      tpu.vector_store %arg7[%swap3A_112, %swap3A_113], %broadcast_in_dim3A_1 {strides = array<i32>} : memref<32x1024xf32, #tpu.memory_space<vmem>>, vector<16xf32>,
      %swap3A_115 = arith.index_cast %scan3A_55 : i32 to index
      %swap3A_116 = arith.constant 320 : index
      %swap3A_117 = tpu.vector_load %arg7[%swap3A_115, %swap3A_116] {strides = array<i32>} : memref<32x1024xf32, #tpu.memory_space<vmem>>, vector<16xf32>,
      tpu.vector_store %arg7[%swap3A_115, %swap3A_116], %broadcast_in_dim3A_1 {strides = array<i32>} : memref<32x1024xf32, #tpu.memory_space<vmem>>, vector<16xf32>,
      %swap3A_118 = arith.index_cast %scan3A_55 : i32 to index
      %swap3A_119 = arith.constant 336 : index
      %swap3A_120 = tpu.vector_load %arg7[%swap3A_118, %swap3A_119] {strides = array<i32>} : memref<32x1024xf32, #tpu.memory_space<vmem>>, vector<16xf32>,
      tpu.vector_store %arg7[%swap3A_118, %swap3A_119], %broadcast_in_dim3A_1 {strides = array<i32>} : memref<32x1024xf32, #tpu.memory_space<vmem>>, vector<16xf32>,
      %swap3A_121 = arith.index_cast %scan3A_55 : i32 to index
      %swap3A_122 = arith.constant 352 : index
      %swap3A_123 = tpu.vector_load %arg7[%swap3A_121, %swap3A_122] {strides = array<i32>} : memref<32x1024xf32, #tpu.memory_space<vmem>>, vector<16xf32>,
      tpu.vector_store %arg7[%swap3A_121, %swap3A_122], %broadcast_in_dim3A_1 {strides = array<i32>} : memref<32x1024xf32, #tpu.memory_space<vmem>>, vector<16xf32>,
      %swap3A_124 = arith.index_cast %scan3A_55 : i32 to index
      %swap3A_125 = arith.constant 368 : index
      %swap3A_126 = tpu.vector_load %arg7[%swap3A_124, %swap3A_125] {strides = array<i32>} : memref<32x1024xf32, #tpu.memory_space<vmem>>, vector<16xf32>,
      tpu.vector_store %arg7[%swap3A_124, %swap3A_125], %broadcast_in_dim3A_1 {strides = array<i32>} : memref<32x1024xf32, #tpu.memory_space<vmem>>, vector<16xf32>,
      %swap3A_127 = arith.index_cast %scan3A_55 : i32 to index
      %swap3A_128 = arith.constant 384 : index
      %swap3A_129 = tpu.vector_load %arg7[%swap3A_127, %swap3A_128] {strides = array<i32>} : memref<32x1024xf32, #tpu.memory_space<vmem>>, vector<16xf32>,
      tpu.vector_store %arg7[%swap3A_127, %swap3A_128], %broadcast_in_dim3A_1 {strides = array<i32>} : memref<32x1024xf32, #tpu.memory_space<vmem>>, vector<16xf32>,
      %swap3A_130 = arith.index_cast %scan3A_55 : i32 to index
      %swap3A_131 = arith.constant 400 : index
      %swap3A_132 = tpu.vector_load %arg7[%swap3A_130, %swap3A_131] {strides = array<i32>} : memref<32x1024xf32, #tpu.memory_space<vmem>>, vector<16xf32>,
      tpu.vector_store %arg7[%swap3A_130, %swap3A_131], %broadcast_in_dim3A_1 {strides = array<i32>} : memref<32x1024xf32, #tpu.memory_space<vmem>>, vector<16xf32>,
      %swap3A_133 = arith.index_cast %scan3A_55 : i32 to index
      %swap3A_134 = arith.constant 416 : index
      %swap3A_135 = tpu.vector_load %arg7[%swap3A_133, %swap3A_134] {strides = array<i32>} : memref<32x1024xf32, #tpu.memory_space<vmem>>, vector<16xf32>,
      tpu.vector_store %arg7[%swap3A_133, %swap3A_134], %broadcast_in_dim3A_1 {strides = array<i32>} : memref<32x1024xf32, #tpu.memory_space<vmem>>, vector<16xf32>,
      %swap3A_136 = arith.index_cast %scan3A_55 : i32 to index
      %swap3A_137 = arith.constant 432 : index
      %swap3A_138 = tpu.vector_load %arg7[%swap3A_136, %swap3A_137] {strides = array<i32>} : memref<32x1024xf32, #tpu.memory_space<vmem>>, vector<16xf32>,
      tpu.vector_store %arg7[%swap3A_136, %swap3A_137], %broadcast_in_dim3A_1 {strides = array<i32>} : memref<32x1024xf32, #tpu.memory_space<vmem>>, vector<16xf32>,
      %swap3A_139 = arith.index_cast %scan3A_55 : i32 to index
      %swap3A_140 = arith.constant 448 : index
      %swap3A_141 = tpu.vector_load %arg7[%swap3A_139, %swap3A_140] {strides = array<i32>} : memref<32x1024xf32, #tpu.memory_space<vmem>>, vector<16xf32>,
      tpu.vector_store %arg7[%swap3A_139, %swap3A_140], %broadcast_in_dim3A_1 {strides = array<i32>} : memref<32x1024xf32, #tpu.memory_space<vmem>>, vector<16xf32>,
      %swap3A_142 = arith.index_cast %scan3A_55 : i32 to index
      %swap3A_143 = arith.constant 464 : index
      %swap3A_144 = tpu.vector_load %arg7[%swap3A_142, %swap3A_143] {strides = array<i32>} : memref<32x1024xf32, #tpu.memory_space<vmem>>, vector<16xf32>,
      tpu.vector_store %arg7[%swap3A_142, %swap3A_143], %broadcast_in_dim3A_1 {strides = array<i32>} : memref<32x1024xf32, #tpu.memory_space<vmem>>, vector<16xf32>,
      %swap3A_145 = arith.index_cast %scan3A_55 : i32 to index
      %swap3A_146 = arith.constant 480 : index
      %swap3A_147 = tpu.vector_load %arg7[%swap3A_145, %swap3A_146] {strides = array<i32>} : memref<32x1024xf32, #tpu.memory_space<vmem>>, vector<16xf32>,
      tpu.vector_store %arg7[%swap3A_145, %swap3A_146], %broadcast_in_dim3A_1 {strides = array<i32>} : memref<32x1024xf32, #tpu.memory_space<vmem>>, vector<16xf32>,
      %swap3A_148 = arith.index_cast %scan3A_55 : i32 to index
      %swap3A_149 = arith.constant 496 : index
      %swap3A_150 = tpu.vector_load %arg7[%swap3A_148, %swap3A_149] {strides = array<i32>} : memref<32x1024xf32, #tpu.memory_space<vmem>>, vector<16xf32>,
      tpu.vector_store %arg7[%swap3A_148, %swap3A_149], %broadcast_in_dim3A_1 {strides = array<i32>} : memref<32x1024xf32, #tpu.memory_space<vmem>>, vector<16xf32>,
      %swap3A_151 = arith.index_cast %scan3A_55 : i32 to index
      %swap3A_152 = arith.constant 512 : index
      %swap3A_153 = tpu.vector_load %arg7[%swap3A_151, %swap3A_152] {strides = array<i32>} : memref<32x1024xf32, #tpu.memory_space<vmem>>, vector<16xf32>,
      tpu.vector_store %arg7[%swap3A_151, %swap3A_152], %broadcast_in_dim3A_1 {strides = array<i32>} : memref<32x1024xf32, #tpu.memory_space<vmem>>, vector<16xf32>,
      %swap3A_154 = arith.index_cast %scan3A_55 : i32 to index
      %swap3A_155 = arith.constant 528 : index
      %swap3A_156 = tpu.vector_load %arg7[%swap3A_154, %swap3A_155] {strides = array<i32>} : memref<32x1024xf32, #tpu.memory_space<vmem>>, vector<16xf32>,
      tpu.vector_store %arg7[%swap3A_154, %swap3A_155], %broadcast_in_dim3A_1 {strides = array<i32>} : memref<32x1024xf32, #tpu.memory_space<vmem>>, vector<16xf32>,
      %swap3A_157 = arith.index_cast %scan3A_55 : i32 to index
      %swap3A_158 = arith.constant 544 : index
      %swap3A_159 = tpu.vector_load %arg7[%swap3A_157, %swap3A_158] {strides = array<i32>} : memref<32x1024xf32, #tpu.memory_space<vmem>>, vector<16xf32>,
      tpu.vector_store %arg7[%swap3A_157, %swap3A_158], %broadcast_in_dim3A_1 {strides = array<i32>} : memref<32x1024xf32, #tpu.memory_space<vmem>>, vector<16xf32>,
      %swap3A_160 = arith.index_cast %scan3A_55 : i32 to index
      %swap3A_161 = arith.constant 560 : index
      %swap3A_162 = tpu.vector_load %arg7[%swap3A_160, %swap3A_161] {strides = array<i32>} : memref<32x1024xf32, #tpu.memory_space<vmem>>, vector<16xf32>,
      tpu.vector_store %arg7[%swap3A_160, %swap3A_161], %broadcast_in_dim3A_1 {strides = array<i32>} : memref<32x1024xf32, #tpu.memory_space<vmem>>, vector<16xf32>,
      %swap3A_163 = arith.index_cast %scan3A_55 : i32 to index
      %swap3A_164 = arith.constant 576 : index
      %swap3A_165 = tpu.vector_load %arg7[%swap3A_163, %swap3A_164] {strides = array<i32>} : memref<32x1024xf32, #tpu.memory_space<vmem>>, vector<16xf32>,
      tpu.vector_store %arg7[%swap3A_163, %swap3A_164], %broadcast_in_dim3A_1 {strides = array<i32>} : memref<32x1024xf32, #tpu.memory_space<vmem>>, vector<16xf32>,
      %swap3A_166 = arith.index_cast %scan3A_55 : i32 to index
      %swap3A_167 = arith.constant 592 : index
      %swap3A_168 = tpu.vector_load %arg7[%swap3A_166, %swap3A_167] {strides = array<i32>} : memref<32x1024xf32, #tpu.memory_space<vmem>>, vector<16xf32>,
      tpu.vector_store %arg7[%swap3A_166, %swap3A_167], %broadcast_in_dim3A_1 {strides = array<i32>} : memref<32x1024xf32, #tpu.memory_space<vmem>>, vector<16xf32>,
      %swap3A_169 = arith.index_cast %scan3A_55 : i32 to index
      %swap3A_170 = arith.constant 608 : index
      %swap3A_171 = tpu.vector_load %arg7[%swap3A_169, %swap3A_170] {strides = array<i32>} : memref<32x1024xf32, #tpu.memory_space<vmem>>, vector<16xf32>,
      tpu.vector_store %arg7[%swap3A_169, %swap3A_170], %broadcast_in_dim3A_1 {strides = array<i32>} : memref<32x1024xf32, #tpu.memory_space<vmem>>, vector<16xf32>,
      %swap3A_172 = arith.index_cast %scan3A_55 : i32 to index
      %swap3A_173 = arith.constant 624 : index
      %swap3A_174 = tpu.vector_load %arg7[%swap3A_172, %swap3A_173] {strides = array<i32>} : memref<32x1024xf32, #tpu.memory_space<vmem>>, vector<16xf32>,
      tpu.vector_store %arg7[%swap3A_172, %swap3A_173], %broadcast_in_dim3A_1 {strides = array<i32>} : memref<32x1024xf32, #tpu.memory_space<vmem>>, vector<16xf32>,
      %swap3A_175 = arith.index_cast %scan3A_55 : i32 to index
      %swap3A_176 = arith.constant 640 : index
      %swap3A_177 = tpu.vector_load %arg7[%swap3A_175, %swap3A_176] {strides = array<i32>} : memref<32x1024xf32, #tpu.memory_space<vmem>>, vector<16xf32>,
      tpu.vector_store %arg7[%swap3A_175, %swap3A_176], %broadcast_in_dim3A_1 {strides = array<i32>} : memref<32x1024xf32, #tpu.memory_space<vmem>>, vector<16xf32>,
      %swap3A_178 = arith.index_cast %scan3A_55 : i32 to index
      %swap3A_179 = arith.constant 656 : index
      %swap3A_180 = tpu.vector_load %arg7[%swap3A_178, %swap3A_179] {strides = array<i32>} : memref<32x1024xf32, #tpu.memory_space<vmem>>, vector<16xf32>,
      tpu.vector_store %arg7[%swap3A_178, %swap3A_179], %broadcast_in_dim3A_1 {strides = array<i32>} : memref<32x1024xf32, #tpu.memory_space<vmem>>, vector<16xf32>,
      %swap3A_181 = arith.index_cast %scan3A_55 : i32 to index
      %swap3A_182 = arith.constant 672 : index
      %swap3A_183 = tpu.vector_load %arg7[%swap3A_181, %swap3A_182] {strides = array<i32>} : memref<32x1024xf32, #tpu.memory_space<vmem>>, vector<16xf32>,
      tpu.vector_store %arg7[%swap3A_181, %swap3A_182], %broadcast_in_dim3A_1 {strides = array<i32>} : memref<32x1024xf32, #tpu.memory_space<vmem>>, vector<16xf32>,
      %swap3A_184 = arith.index_cast %scan3A_55 : i32 to index
      %swap3A_185 = arith.constant 688 : index
      %swap3A_186 = tpu.vector_load %arg7[%swap3A_184, %swap3A_185] {strides = array<i32>} : memref<32x1024xf32, #tpu.memory_space<vmem>>, vector<16xf32>,
      tpu.vector_store %arg7[%swap3A_184, %swap3A_185], %broadcast_in_dim3A_1 {strides = array<i32>} : memref<32x1024xf32, #tpu.memory_space<vmem>>, vector<16xf32>,
      %swap3A_187 = arith.index_cast %scan3A_55 : i32 to index
      %swap3A_188 = arith.constant 704 : index
      %swap3A_189 = tpu.vector_load %arg7[%swap3A_187, %swap3A_188] {strides = array<i32>} : memref<32x1024xf32, #tpu.memory_space<vmem>>, vector<16xf32>,
      tpu.vector_store %arg7[%swap3A_187, %swap3A_188], %broadcast_in_dim3A_1 {strides = array<i32>} : memref<32x1024xf32, #tpu.memory_space<vmem>>, vector<16xf32>,
      %swap3A_190 = arith.index_cast %scan3A_55 : i32 to index
      %swap3A_191 = arith.constant 720 : index
      %swap3A_192 = tpu.vector_load %arg7[%swap3A_190, %swap3A_191] {strides = array<i32>} : memref<32x1024xf32, #tpu.memory_space<vmem>>, vector<16xf32>,
      tpu.vector_store %arg7[%swap3A_190, %swap3A_191], %broadcast_in_dim3A_1 {strides = array<i32>} : memref<32x1024xf32, #tpu.memory_space<vmem>>, vector<16xf32>,
      %swap3A_193 = arith.index_cast %scan3A_55 : i32 to index
      %swap3A_194 = arith.constant 736 : index
      %swap3A_195 = tpu.vector_load %arg7[%swap3A_193, %swap3A_194] {strides = array<i32>} : memref<32x1024xf32, #tpu.memory_space<vmem>>, vector<16xf32>,
      tpu.vector_store %arg7[%swap3A_193, %swap3A_194], %broadcast_in_dim3A_1 {strides = array<i32>} : memref<32x1024xf32, #tpu.memory_space<vmem>>, vector<16xf32>,
      %swap3A_196 = arith.index_cast %scan3A_55 : i32 to index
      %swap3A_197 = arith.constant 752 : index
      %swap3A_198 = tpu.vector_load %arg7[%swap3A_196, %swap3A_197] {strides = array<i32>} : memref<32x1024xf32, #tpu.memory_space<vmem>>, vector<16xf32>,
      tpu.vector_store %arg7[%swap3A_196, %swap3A_197], %broadcast_in_dim3A_1 {strides = array<i32>} : memref<32x1024xf32, #tpu.memory_space<vmem>>, vector<16xf32>,
      %swap3A_199 = arith.index_cast %scan3A_55 : i32 to index
      %swap3A_200 = arith.constant 768 : index
      %swap3A_201 = tpu.vector_load %arg7[%swap3A_199, %swap3A_200] {strides = array<i32>} : memref<32x1024xf32, #tpu.memory_space<vmem>>, vector<16xf32>,
      tpu.vector_store %arg7[%swap3A_199, %swap3A_200], %broadcast_in_dim3A_1 {strides = array<i32>} : memref<32x1024xf32, #tpu.memory_space<vmem>>, vector<16xf32>,
      %swap3A_202 = arith.index_cast %scan3A_55 : i32 to index
      %swap3A_203 = arith.constant 784 : index
      %swap3A_204 = tpu.vector_load %arg7[%swap3A_202, %swap3A_203] {strides = array<i32>} : memref<32x1024xf32, #tpu.memory_space<vmem>>, vector<16xf32>,
      tpu.vector_store %arg7[%swap3A_202, %swap3A_203], %broadcast_in_dim3A_1 {strides = array<i32>} : memref<32x1024xf32, #tpu.memory_space<vmem>>, vector<16xf32>,
      %swap3A_205 = arith.index_cast %scan3A_55 : i32 to index
      %swap3A_206 = arith.constant 800 : index
      %swap3A_207 = tpu.vector_load %arg7[%swap3A_205, %swap3A_206] {strides = array<i32>} : memref<32x1024xf32, #tpu.memory_space<vmem>>, vector<16xf32>,
      tpu.vector_store %arg7[%swap3A_205, %swap3A_206], %broadcast_in_dim3A_1 {strides = array<i32>} : memref<32x1024xf32, #tpu.memory_space<vmem>>, vector<16xf32>,
      %swap3A_208 = arith.index_cast %scan3A_55 : i32 to index
      %swap3A_209 = arith.constant 816 : index
      %swap3A_210 = tpu.vector_load %arg7[%swap3A_208, %swap3A_209] {strides = array<i32>} : memref<32x1024xf32, #tpu.memory_space<vmem>>, vector<16xf32>,
      tpu.vector_store %arg7[%swap3A_208, %swap3A_209], %broadcast_in_dim3A_1 {strides = array<i32>} : memref<32x1024xf32, #tpu.memory_space<vmem>>, vector<16xf32>,
      %swap3A_211 = arith.index_cast %scan3A_55 : i32 to index
      %swap3A_212 = arith.constant 832 : index
      %swap3A_213 = tpu.vector_load %arg7[%swap3A_211, %swap3A_212] {strides = array<i32>} : memref<32x1024xf32, #tpu.memory_space<vmem>>, vector<16xf32>,
      tpu.vector_store %arg7[%swap3A_211, %swap3A_212], %broadcast_in_dim3A_1 {strides = array<i32>} : memref<32x1024xf32, #tpu.memory_space<vmem>>, vector<16xf32>,
      %swap3A_214 = arith.index_cast %scan3A_55 : i32 to index
      %swap3A_215 = arith.constant 848 : index
      %swap3A_216 = tpu.vector_load %arg7[%swap3A_214, %swap3A_215] {strides = array<i32>} : memref<32x1024xf32, #tpu.memory_space<vmem>>, vector<16xf32>,
      tpu.vector_store %arg7[%swap3A_214, %swap3A_215], %broadcast_in_dim3A_1 {strides = array<i32>} : memref<32x1024xf32, #tpu.memory_space<vmem>>, vector<16xf32>,
      %swap3A_217 = arith.index_cast %scan3A_55 : i32 to index
      %swap3A_218 = arith.constant 864 : index
      %swap3A_219 = tpu.vector_load %arg7[%swap3A_217, %swap3A_218] {strides = array<i32>} : memref<32x1024xf32, #tpu.memory_space<vmem>>, vector<16xf32>,
      tpu.vector_store %arg7[%swap3A_217, %swap3A_218], %broadcast_in_dim3A_1 {strides = array<i32>} : memref<32x1024xf32, #tpu.memory_space<vmem>>, vector<16xf32>,
      %swap3A_220 = arith.index_cast %scan3A_55 : i32 to index
      %swap3A_221 = arith.constant 880 : index
      %swap3A_222 = tpu.vector_load %arg7[%swap3A_220, %swap3A_221] {strides = array<i32>} : memref<32x1024xf32, #tpu.memory_space<vmem>>, vector<16xf32>,
      tpu.vector_store %arg7[%swap3A_220, %swap3A_221], %broadcast_in_dim3A_1 {strides = array<i32>} : memref<32x1024xf32, #tpu.memory_space<vmem>>, vector<16xf32>,
      %swap3A_223 = arith.index_cast %scan3A_55 : i32 to index
      %swap3A_224 = arith.constant 896 : index
      %swap3A_225 = tpu.vector_load %arg7[%swap3A_223, %swap3A_224] {strides = array<i32>} : memref<32x1024xf32, #tpu.memory_space<vmem>>, vector<16xf32>,
      tpu.vector_store %arg7[%swap3A_223, %swap3A_224], %broadcast_in_dim3A_1 {strides = array<i32>} : memref<32x1024xf32, #tpu.memory_space<vmem>>, vector<16xf32>,
      %swap3A_226 = arith.index_cast %scan3A_55 : i32 to index
      %swap3A_227 = arith.constant 912 : index
      %swap3A_228 = tpu.vector_load %arg7[%swap3A_226, %swap3A_227] {strides = array<i32>} : memref<32x1024xf32, #tpu.memory_space<vmem>>, vector<16xf32>,
      tpu.vector_store %arg7[%swap3A_226, %swap3A_227], %broadcast_in_dim3A_1 {strides = array<i32>} : memref<32x1024xf32, #tpu.memory_space<vmem>>, vector<16xf32>,
      %swap3A_229 = arith.index_cast %scan3A_55 : i32 to index
      %swap3A_230 = arith.constant 928 : index
      %swap3A_231 = tpu.vector_load %arg7[%swap3A_229, %swap3A_230] {strides = array<i32>} : memref<32x1024xf32, #tpu.memory_space<vmem>>, vector<16xf32>,
      tpu.vector_store %arg7[%swap3A_229, %swap3A_230], %broadcast_in_dim3A_1 {strides = array<i32>} : memref<32x1024xf32, #tpu.memory_space<vmem>>, vector<16xf32>,
      %swap3A_232 = arith.index_cast %scan3A_55 : i32 to index
      %swap3A_233 = arith.constant 944 : index
      %swap3A_234 = tpu.vector_load %arg7[%swap3A_232, %swap3A_233] {strides = array<i32>} : memref<32x1024xf32, #tpu.memory_space<vmem>>, vector<16xf32>,
      tpu.vector_store %arg7[%swap3A_232, %swap3A_233], %broadcast_in_dim3A_1 {strides = array<i32>} : memref<32x1024xf32, #tpu.memory_space<vmem>>, vector<16xf32>,
      %swap3A_235 = arith.index_cast %scan3A_55 : i32 to index
      %swap3A_236 = arith.constant 960 : index
      %swap3A_237 = tpu.vector_load %arg7[%swap3A_235, %swap3A_236] {strides = array<i32>} : memref<32x1024xf32, #tpu.memory_space<vmem>>, vector<16xf32>,
      tpu.vector_store %arg7[%swap3A_235, %swap3A_236], %broadcast_in_dim3A_1 {strides = array<i32>} : memref<32x1024xf32, #tpu.memory_space<vmem>>, vector<16xf32>,
      %swap3A_238 = arith.index_cast %scan3A_55 : i32 to index
      %swap3A_239 = arith.constant 976 : index
      %swap3A_240 = tpu.vector_load %arg7[%swap3A_238, %swap3A_239] {strides = array<i32>} : memref<32x1024xf32, #tpu.memory_space<vmem>>, vector<16xf32>,
      tpu.vector_store %arg7[%swap3A_238, %swap3A_239], %broadcast_in_dim3A_1 {strides = array<i32>} : memref<32x1024xf32, #tpu.memory_space<vmem>>, vector<16xf32>,
      %swap3A_241 = arith.index_cast %scan3A_55 : i32 to index
      %swap3A_242 = arith.constant 992 : index
      %swap3A_243 = tpu.vector_load %arg7[%swap3A_241, %swap3A_242] {strides = array<i32>} : memref<32x1024xf32, #tpu.memory_space<vmem>>, vector<16xf32>,
      tpu.vector_store %arg7[%swap3A_241, %swap3A_242], %broadcast_in_dim3A_1 {strides = array<i32>} : memref<32x1024xf32, #tpu.memory_space<vmem>>, vector<16xf32>,
      %swap3A_244 = arith.index_cast %scan3A_55 : i32 to index
      %swap3A_245 = arith.constant 1008 : index
      %swap3A_246 = tpu.vector_load %arg7[%swap3A_244, %swap3A_245] {strides = array<i32>} : memref<32x1024xf32, #tpu.memory_space<vmem>>, vector<16xf32>,
      tpu.vector_store %arg7[%swap3A_244, %swap3A_245], %broadcast_in_dim3A_1 {strides = array<i32>} : memref<32x1024xf32, #tpu.memory_space<vmem>>, vector<16xf32>,
    }
    %scan3A_14 = arith.constant 32 : i32
    "tpu.region"() ({
      %run_scoped3A = tpu.sem_alloc : memref<!tpu.dma_semaphore, #tpu.memory_space<semaphore_mem>>
      %dma_start3A_55 = arith.constant 0 : i32
      %dma_start3A_56 = tpu.memref_slice %arg2[%add3A, %dma_start3A_55] : memref<32x98304xf32, #tpu.memory_space<hbm>> -> memref<1x1024xf32, #tpu.memory_space<hbm>>
      %dma_start3A_57 = tpu.memref_squeeze %dma_start3A_56 : memref<1x1024xf32, #tpu.memory_space<hbm>> -> memref<1024xf32, #tpu.memory_space<hbm>>
      %dma_start3A_58 = arith.constant 0 : i32
      %dma_start3A_59 = tpu.memref_slice %arg2[%add3A, %dma_start3A_58] : memref<32x98304xf32, #tpu.memory_space<hbm>> -> memref<1x1024xf32, #tpu.memory_space<hbm>>
      %dma_start3A_60 = tpu.memref_squeeze %dma_start3A_59 : memref<1x1024xf32, #tpu.memory_space<hbm>> -> memref<1024xf32, #tpu.memory_space<hbm>>
      tpu.enqueue_dma source(%dma_start3A_60 : memref<1024xf32, #tpu.memory_space<hbm>>) target(%arg4 : memref<1024xf32, #tpu.memory_space<vmem>>) target_semaphore(%run_scoped3A : memref<!tpu.dma_semaphore, #tpu.memory_space<semaphore_mem>>)
      %dma_wait3A_61 = arith.constant 0 : i32
      %dma_wait3A_62 = tpu.memref_slice %arg2[%add3A, %dma_wait3A_61] : memref<32x98304xf32, #tpu.memory_space<hbm>> -> memref<1x1024xf32, #tpu.memory_space<hbm>>
      %dma_wait3A_63 = tpu.memref_squeeze %dma_wait3A_62 : memref<1x1024xf32, #tpu.memory_space<hbm>> -> memref<1024xf32, #tpu.memory_space<hbm>>
      %dma_wait3A_64 = arith.constant 0 : i32
      %dma_wait3A_65 = tpu.memref_slice %arg2[%add3A, %dma_wait3A_64] : memref<32x98304xf32, #tpu.memory_space<hbm>> -> memref<1x1024xf32, #tpu.memory_space<hbm>>
      %dma_wait3A_66 = tpu.memref_squeeze %dma_wait3A_65 : memref<1x1024xf32, #tpu.memory_space<hbm>> -> memref<1024xf32, #tpu.memory_space<hbm>>
      tpu.wait_dma2 semaphore(%run_scoped3A : memref<!tpu.dma_semaphore, #tpu.memory_space<semaphore_mem>>) src(%dma_wait3A_66 : memref<1024xf32, #tpu.memory_space<hbm>>) dst(%arg4 : memref<1024xf32, #tpu.memory_space<vmem>>)
      tpu.yield
    }) : () -> ()
    %scan3A_15 = arith.constant 0 : i32
    %scan3A_16 = arith.constant 0 : i32
    %scan3A_17 = arith.constant 16 : i32
    %scan3A_18 = arith.addi %scan3A_16, %scan3A_17 : i32
    %scan3A_19 = arith.constant 1 : i32
    scf.for %scan3A_55 = %scan3A_16 to %scan3A_18 step %scan3A_19  : i32 {
      %mul3A_56 = arith.constant 4 : i32
      %mul3A_57 = arith.muli %scan3A_55, %mul3A_56 : i32
      %add3A_58 = arith.constant 0 : i32
      %add3A_59 = arith.addi %mul3A_57, %add3A_58 : i32
      %mul3A_60 = arith.constant 16 : i32
      %mul3A_61 = arith.muli %add3A_59, %mul3A_60 : i32
      %get3A = arith.index_cast %mul3A_61 : i32 to index
      %get3A_62 = tpu.vector_load %arg4[%get3A] {strides = array<i32>} : memref<1024xf32, #tpu.memory_space<vmem>>, vector<16xf32>,
      %neg3A = arith.constant 0.000000e+00 : f32
      %neg3A_63 = vector.broadcast %neg3A : f32 to vector<16xf32>
      %neg3A_64 = arith.subf %neg3A_63, %get3A_62 : vector<16xf32>
      %exp3A = math.exp %neg3A_64 : vector<16xf32>
      %add3A_65 = arith.constant 1.000000e+00 : f32
      %add3A_66 = vector.broadcast %add3A_65 : f32 to vector<16xf32>
      %add3A_67 = arith.addf %add3A_66, %exp3A : vector<16xf32>
      %div3A = arith.constant 1.000000e+00 : f32
      %div3A_68 = vector.broadcast %div3A : f32 to vector<16xf32>
      %div3A_69 = arith.divf %div3A_68, %add3A_67 : vector<16xf32>
      %mul3A_70 = arith.constant 1.000000e+01 : f32
      %mul3A_71 = vector.broadcast %mul3A_70 : f32 to vector<16xf32>
      %mul3A_72 = arith.mulf %div3A_69, %mul3A_71 : vector<16xf32>
      %convert_element_type3A = arith.fptosi %mul3A_72 : vector<16xf32> to vector<16xi32>
      %swap3A = arith.index_cast %mul3A_61 : i32 to index
      %swap3A_73 = tpu.vector_load %arg8[%swap3A] {strides = array<i32>} : memref<1024xi32, #tpu.memory_space<vmem>>, vector<16xi32>,
      tpu.vector_store %arg8[%swap3A], %convert_element_type3A {strides = array<i32>} : memref<1024xi32, #tpu.memory_space<vmem>>, vector<16xi32>,
      %add3A_74 = vector.broadcast %mul3A_61 : i32 to vector<16xi32>
      %add3A_75 = arith.addi %add3A_74, %iota3A : vector<16xi32>
      tpu.vector_store_idx %arg6[%convert_element_type3A, %add3A_75], %broadcast_in_dim3A_3 : memref<32x1024xf32, #tpu.memory_space<vmem>>[vector<16xi32>, vector<16xi32>], vector<16xf32>,
      %mul3A_76 = arith.constant 4 : i32
      %mul3A_77 = arith.muli %scan3A_55, %mul3A_76 : i32
      %add3A_78 = arith.constant 1 : i32
      %add3A_79 = arith.addi %mul3A_77, %add3A_78 : i32
      %mul3A_80 = arith.constant 16 : i32
      %mul3A_81 = arith.muli %add3A_79, %mul3A_80 : i32
      %get3A_82 = arith.index_cast %mul3A_81 : i32 to index
      %get3A_83 = tpu.vector_load %arg4[%get3A_82] {strides = array<i32>} : memref<1024xf32, #tpu.memory_space<vmem>>, vector<16xf32>,
      %neg3A_84 = arith.constant 0.000000e+00 : f32
      %neg3A_85 = vector.broadcast %neg3A_84 : f32 to vector<16xf32>
      %neg3A_86 = arith.subf %neg3A_85, %get3A_83 : vector<16xf32>
      %exp3A_87 = math.exp %neg3A_86 : vector<16xf32>
      %add3A_88 = arith.constant 1.000000e+00 : f32
      %add3A_89 = vector.broadcast %add3A_88 : f32 to vector<16xf32>
      %add3A_90 = arith.addf %add3A_89, %exp3A_87 : vector<16xf32>
      %div3A_91 = arith.constant 1.000000e+00 : f32
      %div3A_92 = vector.broadcast %div3A_91 : f32 to vector<16xf32>
      %div3A_93 = arith.divf %div3A_92, %add3A_90 : vector<16xf32>
      %mul3A_94 = arith.constant 1.000000e+01 : f32
      %mul3A_95 = vector.broadcast %mul3A_94 : f32 to vector<16xf32>
      %mul3A_96 = arith.mulf %div3A_93, %mul3A_95 : vector<16xf32>
      %convert_element_type3A_97 = arith.fptosi %mul3A_96 : vector<16xf32> to vector<16xi32>
      %swap3A_98 = arith.index_cast %mul3A_81 : i32 to index
      %swap3A_99 = tpu.vector_load %arg8[%swap3A_98] {strides = array<i32>} : memref<1024xi32, #tpu.memory_space<vmem>>, vector<16xi32>,
      tpu.vector_store %arg8[%swap3A_98], %convert_element_type3A_97 {strides = array<i32>} : memref<1024xi32, #tpu.memory_space<vmem>>, vector<16xi32>,
      %add3A_100 = vector.broadcast %mul3A_81 : i32 to vector<16xi32>
      %add3A_101 = arith.addi %add3A_100, %iota3A : vector<16xi32>
      tpu.vector_store_idx %arg6[%convert_element_type3A_97, %add3A_101], %broadcast_in_dim3A_3 : memref<32x1024xf32, #tpu.memory_space<vmem>>[vector<16xi32>, vector<16xi32>], vector<16xf32>,
      %mul3A_102 = arith.constant 4 : i32
      %mul3A_103 = arith.muli %scan3A_55, %mul3A_102 : i32
      %add3A_104 = arith.constant 2 : i32
      %add3A_105 = arith.addi %mul3A_103, %add3A_104 : i32
      %mul3A_106 = arith.constant 16 : i32
      %mul3A_107 = arith.muli %add3A_105, %mul3A_106 : i32
      %get3A_108 = arith.index_cast %mul3A_107 : i32 to index
      %get3A_109 = tpu.vector_load %arg4[%get3A_108] {strides = array<i32>} : memref<1024xf32, #tpu.memory_space<vmem>>, vector<16xf32>,
      %neg3A_110 = arith.constant 0.000000e+00 : f32
      %neg3A_111 = vector.broadcast %neg3A_110 : f32 to vector<16xf32>
      %neg3A_112 = arith.subf %neg3A_111, %get3A_109 : vector<16xf32>
      %exp3A_113 = math.exp %neg3A_112 : vector<16xf32>
      %add3A_114 = arith.constant 1.000000e+00 : f32
      %add3A_115 = vector.broadcast %add3A_114 : f32 to vector<16xf32>
      %add3A_116 = arith.addf %add3A_115, %exp3A_113 : vector<16xf32>
      %div3A_117 = arith.constant 1.000000e+00 : f32
      %div3A_118 = vector.broadcast %div3A_117 : f32 to vector<16xf32>
      %div3A_119 = arith.divf %div3A_118, %add3A_116 : vector<16xf32>
      %mul3A_120 = arith.constant 1.000000e+01 : f32
      %mul3A_121 = vector.broadcast %mul3A_120 : f32 to vector<16xf32>
      %mul3A_122 = arith.mulf %div3A_119, %mul3A_121 : vector<16xf32>
      %convert_element_type3A_123 = arith.fptosi %mul3A_122 : vector<16xf32> to vector<16xi32>
      %swap3A_124 = arith.index_cast %mul3A_107 : i32 to index
      %swap3A_125 = tpu.vector_load %arg8[%swap3A_124] {strides = array<i32>} : memref<1024xi32, #tpu.memory_space<vmem>>, vector<16xi32>,
      tpu.vector_store %arg8[%swap3A_124], %convert_element_type3A_123 {strides = array<i32>} : memref<1024xi32, #tpu.memory_space<vmem>>, vector<16xi32>,
      %add3A_126 = vector.broadcast %mul3A_107 : i32 to vector<16xi32>
      %add3A_127 = arith.addi %add3A_126, %iota3A : vector<16xi32>
      tpu.vector_store_idx %arg6[%convert_element_type3A_123, %add3A_127], %broadcast_in_dim3A_3 : memref<32x1024xf32, #tpu.memory_space<vmem>>[vector<16xi32>, vector<16xi32>], vector<16xf32>,
      %mul3A_128 = arith.constant 4 : i32
      %mul3A_129 = arith.muli %scan3A_55, %mul3A_128 : i32
      %add3A_130 = arith.constant 3 : i32
      %add3A_131 = arith.addi %mul3A_129, %add3A_130 : i32
      %mul3A_132 = arith.constant 16 : i32
      %mul3A_133 = arith.muli %add3A_131, %mul3A_132 : i32
      %get3A_134 = arith.index_cast %mul3A_133 : i32 to index
      %get3A_135 = tpu.vector_load %arg4[%get3A_134] {strides = array<i32>} : memref<1024xf32, #tpu.memory_space<vmem>>, vector<16xf32>,
      %neg3A_136 = arith.constant 0.000000e+00 : f32
      %neg3A_137 = vector.broadcast %neg3A_136 : f32 to vector<16xf32>
      %neg3A_138 = arith.subf %neg3A_137, %get3A_135 : vector<16xf32>
      %exp3A_139 = math.exp %neg3A_138 : vector<16xf32>
      %add3A_140 = arith.constant 1.000000e+00 : f32
      %add3A_141 = vector.broadcast %add3A_140 : f32 to vector<16xf32>
      %add3A_142 = arith.addf %add3A_141, %exp3A_139 : vector<16xf32>
      %div3A_143 = arith.constant 1.000000e+00 : f32
      %div3A_144 = vector.broadcast %div3A_143 : f32 to vector<16xf32>
      %div3A_145 = arith.divf %div3A_144, %add3A_142 : vector<16xf32>
      %mul3A_146 = arith.constant 1.000000e+01 : f32
      %mul3A_147 = vector.broadcast %mul3A_146 : f32 to vector<16xf32>
      %mul3A_148 = arith.mulf %div3A_145, %mul3A_147 : vector<16xf32>
      %convert_element_type3A_149 = arith.fptosi %mul3A_148 : vector<16xf32> to vector<16xi32>
      %swap3A_150 = arith.index_cast %mul3A_133 : i32 to index
      %swap3A_151 = tpu.vector_load %arg8[%swap3A_150] {strides = array<i32>} : memref<1024xi32, #tpu.memory_space<vmem>>, vector<16xi32>,
      tpu.vector_store %arg8[%swap3A_150], %convert_element_type3A_149 {strides = array<i32>} : memref<1024xi32, #tpu.memory_space<vmem>>, vector<16xi32>,
      %add3A_152 = vector.broadcast %mul3A_133 : i32 to vector<16xi32>
      %add3A_153 = arith.addi %add3A_152, %iota3A : vector<16xi32>
      tpu.vector_store_idx %arg6[%convert_element_type3A_149, %add3A_153], %broadcast_in_dim3A_3 : memref<32x1024xf32, #tpu.memory_space<vmem>>[vector<16xi32>, vector<16xi32>], vector<16xf32>,
    }
    %scan3A_20 = arith.constant 16 : i32
    %mul3A_21 = arith.constant 32 : i32
    %mul3A_22 = arith.muli %add3A, %mul3A_21 : i32
    %dma_start3A = arith.constant 0 : i32
    %dma_start3A_23 = tpu.memref_slice %arg3[%mul3A_22, %dma_start3A] : memref<1024x98304xf32, #tpu.memory_space<hbm>> -> memref<32x1024xf32, #tpu.memory_space<hbm>>
    %dma_start3A_24 = arith.constant 0 : i32
    %dma_start3A_25 = tpu.memref_slice %arg3[%mul3A_22, %dma_start3A_24] : memref<1024x98304xf32, #tpu.memory_space<hbm>> -> memref<32x1024xf32, #tpu.memory_space<hbm>>
    tpu.enqueue_dma source(%arg6 : memref<32x1024xf32, #tpu.memory_space<vmem>>) target(%dma_start3A_25 : memref<32x1024xf32, #tpu.memory_space<hbm>>) target_semaphore(%arg10 : memref<!tpu.dma_semaphore, #tpu.memory_space<semaphore_mem>>)
    "tpu.region"() ({
      %run_scoped3A = tpu.sem_alloc : memref<!tpu.dma_semaphore, #tpu.memory_space<semaphore_mem>>
      %dma_start3A_55 = arith.constant 1024 : i32
      %dma_start3A_56 = tpu.memref_slice %arg2[%add3A, %dma_start3A_55] : memref<32x98304xf32, #tpu.memory_space<hbm>> -> memref<1x1024xf32, #tpu.memory_space<hbm>>
      %dma_start3A_57 = tpu.memref_squeeze %dma_start3A_56 : memref<1x1024xf32, #tpu.memory_space<hbm>> -> memref<1024xf32, #tpu.memory_space<hbm>>
      %dma_start3A_58 = arith.constant 1024 : i32
      %dma_start3A_59 = tpu.memref_slice %arg2[%add3A, %dma_start3A_58] : memref<32x98304xf32, #tpu.memory_space<hbm>> -> memref<1x1024xf32, #tpu.memory_space<hbm>>
      %dma_start3A_60 = tpu.memref_squeeze %dma_start3A_59 : memref<1x1024xf32, #tpu.memory_space<hbm>> -> memref<1024xf32, #tpu.memory_space<hbm>>
      tpu.enqueue_dma source(%dma_start3A_60 : memref<1024xf32, #tpu.memory_space<hbm>>) target(%arg5 : memref<1024xf32, #tpu.memory_space<vmem>>) target_semaphore(%run_scoped3A : memref<!tpu.dma_semaphore, #tpu.memory_space<semaphore_mem>>)
      %dma_wait3A_61 = arith.constant 1024 : i32
      %dma_wait3A_62 = tpu.memref_slice %arg2[%add3A, %dma_wait3A_61] : memref<32x98304xf32, #tpu.memory_space<hbm>> -> memref<1x1024xf32, #tpu.memory_space<hbm>>
      %dma_wait3A_63 = tpu.memref_squeeze %dma_wait3A_62 : memref<1x1024xf32, #tpu.memory_space<hbm>> -> memref<1024xf32, #tpu.memory_space<hbm>>
      %dma_wait3A_64 = arith.constant 1024 : i32
      %dma_wait3A_65 = tpu.memref_slice %arg2[%add3A, %dma_wait3A_64] : memref<32x98304xf32, #tpu.memory_space<hbm>> -> memref<1x1024xf32, #tpu.memory_space<hbm>>
      %dma_wait3A_66 = tpu.memref_squeeze %dma_wait3A_65 : memref<1x1024xf32, #tpu.memory_space<hbm>> -> memref<1024xf32, #tpu.memory_space<hbm>>
      tpu.wait_dma2 semaphore(%run_scoped3A : memref<!tpu.dma_semaphore, #tpu.memory_space<semaphore_mem>>) src(%dma_wait3A_66 : memref<1024xf32, #tpu.memory_space<hbm>>) dst(%arg5 : memref<1024xf32, #tpu.memory_space<vmem>>)
      tpu.yield
    }) : () -> ()
    %scan3A_26 = arith.constant 0 : i32
    %scan3A_27 = arith.constant 0 : i32
    %scan3A_28 = arith.constant 16 : i32
    %scan3A_29 = arith.addi %scan3A_27, %scan3A_28 : i32
    %scan3A_30 = arith.constant 1 : i32
    scf.for %scan3A_55 = %scan3A_27 to %scan3A_29 step %scan3A_30  : i32 {
      %mul3A_56 = arith.constant 4 : i32
      %mul3A_57 = arith.muli %scan3A_55, %mul3A_56 : i32
      %add3A_58 = arith.constant 0 : i32
      %add3A_59 = arith.addi %mul3A_57, %add3A_58 : i32
      %mul3A_60 = arith.constant 16 : i32
      %mul3A_61 = arith.muli %add3A_59, %mul3A_60 : i32
      %get3A = arith.index_cast %mul3A_61 : i32 to index
      %get3A_62 = tpu.vector_load %arg5[%get3A] {strides = array<i32>} : memref<1024xf32, #tpu.memory_space<vmem>>, vector<16xf32>,
      %neg3A = arith.constant 0.000000e+00 : f32
      %neg3A_63 = vector.broadcast %neg3A : f32 to vector<16xf32>
      %neg3A_64 = arith.subf %neg3A_63, %get3A_62 : vector<16xf32>
      %exp3A = math.exp %neg3A_64 : vector<16xf32>
      %add3A_65 = arith.constant 1.000000e+00 : f32
      %add3A_66 = vector.broadcast %add3A_65 : f32 to vector<16xf32>
      %add3A_67 = arith.addf %add3A_66, %exp3A : vector<16xf32>
      %div3A = arith.constant 1.000000e+00 : f32
      %div3A_68 = vector.broadcast %div3A : f32 to vector<16xf32>
      %div3A_69 = arith.divf %div3A_68, %add3A_67 : vector<16xf32>
      %mul3A_70 = arith.constant 1.000000e+01 : f32
      %mul3A_71 = vector.broadcast %mul3A_70 : f32 to vector<16xf32>
      %mul3A_72 = arith.mulf %div3A_69, %mul3A_71 : vector<16xf32>
      %convert_element_type3A = arith.fptosi %mul3A_72 : vector<16xf32> to vector<16xi32>
      %swap3A = arith.index_cast %mul3A_61 : i32 to index
      %swap3A_73 = tpu.vector_load %arg9[%swap3A] {strides = array<i32>} : memref<1024xi32, #tpu.memory_space<vmem>>, vector<16xi32>,
      tpu.vector_store %arg9[%swap3A], %convert_element_type3A {strides = array<i32>} : memref<1024xi32, #tpu.memory_space<vmem>>, vector<16xi32>,
      %add3A_74 = vector.broadcast %mul3A_61 : i32 to vector<16xi32>
      %add3A_75 = arith.addi %add3A_74, %iota3A : vector<16xi32>
      tpu.vector_store_idx %arg7[%convert_element_type3A, %add3A_75], %broadcast_in_dim3A_3 : memref<32x1024xf32, #tpu.memory_space<vmem>>[vector<16xi32>, vector<16xi32>], vector<16xf32>,
      %mul3A_76 = arith.constant 4 : i32
      %mul3A_77 = arith.muli %scan3A_55, %mul3A_76 : i32
      %add3A_78 = arith.constant 1 : i32
      %add3A_79 = arith.addi %mul3A_77, %add3A_78 : i32
      %mul3A_80 = arith.constant 16 : i32
      %mul3A_81 = arith.muli %add3A_79, %mul3A_80 : i32
      %get3A_82 = arith.index_cast %mul3A_81 : i32 to index
      %get3A_83 = tpu.vector_load %arg5[%get3A_82] {strides = array<i32>} : memref<1024xf32, #tpu.memory_space<vmem>>, vector<16xf32>,
      %neg3A_84 = arith.constant 0.000000e+00 : f32
      %neg3A_85 = vector.broadcast %neg3A_84 : f32 to vector<16xf32>
      %neg3A_86 = arith.subf %neg3A_85, %get3A_83 : vector<16xf32>
      %exp3A_87 = math.exp %neg3A_86 : vector<16xf32>
      %add3A_88 = arith.constant 1.000000e+00 : f32
      %add3A_89 = vector.broadcast %add3A_88 : f32 to vector<16xf32>
      %add3A_90 = arith.addf %add3A_89, %exp3A_87 : vector<16xf32>
      %div3A_91 = arith.constant 1.000000e+00 : f32
      %div3A_92 = vector.broadcast %div3A_91 : f32 to vector<16xf32>
      %div3A_93 = arith.divf %div3A_92, %add3A_90 : vector<16xf32>
      %mul3A_94 = arith.constant 1.000000e+01 : f32
      %mul3A_95 = vector.broadcast %mul3A_94 : f32 to vector<16xf32>
      %mul3A_96 = arith.mulf %div3A_93, %mul3A_95 : vector<16xf32>
      %convert_element_type3A_97 = arith.fptosi %mul3A_96 : vector<16xf32> to vector<16xi32>
      %swap3A_98 = arith.index_cast %mul3A_81 : i32 to index
      %swap3A_99 = tpu.vector_load %arg9[%swap3A_98] {strides = array<i32>} : memref<1024xi32, #tpu.memory_space<vmem>>, vector<16xi32>,
      tpu.vector_store %arg9[%swap3A_98], %convert_element_type3A_97 {strides = array<i32>} : memref<1024xi32, #tpu.memory_space<vmem>>, vector<16xi32>,
      %add3A_100 = vector.broadcast %mul3A_81 : i32 to vector<16xi32>
      %add3A_101 = arith.addi %add3A_100, %iota3A : vector<16xi32>
      tpu.vector_store_idx %arg7[%convert_element_type3A_97, %add3A_101], %broadcast_in_dim3A_3 : memref<32x1024xf32, #tpu.memory_space<vmem>>[vector<16xi32>, vector<16xi32>], vector<16xf32>,
      %mul3A_102 = arith.constant 4 : i32
      %mul3A_103 = arith.muli %scan3A_55, %mul3A_102 : i32
      %add3A_104 = arith.constant 2 : i32
      %add3A_105 = arith.addi %mul3A_103, %add3A_104 : i32
      %mul3A_106 = arith.constant 16 : i32
      %mul3A_107 = arith.muli %add3A_105, %mul3A_106 : i32
      %get3A_108 = arith.index_cast %mul3A_107 : i32 to index
      %get3A_109 = tpu.vector_load %arg5[%get3A_108] {strides = array<i32>} : memref<1024xf32, #tpu.memory_space<vmem>>, vector<16xf32>,
      %neg3A_110 = arith.constant 0.000000e+00 : f32
      %neg3A_111 = vector.broadcast %neg3A_110 : f32 to vector<16xf32>
      %neg3A_112 = arith.subf %neg3A_111, %get3A_109 : vector<16xf32>
      %exp3A_113 = math.exp %neg3A_112 : vector<16xf32>
      %add3A_114 = arith.constant 1.000000e+00 : f32
      %add3A_115 = vector.broadcast %add3A_114 : f32 to vector<16xf32>
      %add3A_116 = arith.addf %add3A_115, %exp3A_113 : vector<16xf32>
      %div3A_117 = arith.constant 1.000000e+00 : f32
      %div3A_118 = vector.broadcast %div3A_117 : f32 to vector<16xf32>
      %div3A_119 = arith.divf %div3A_118, %add3A_116 : vector<16xf32>
      %mul3A_120 = arith.constant 1.000000e+01 : f32
      %mul3A_121 = vector.broadcast %mul3A_120 : f32 to vector<16xf32>
      %mul3A_122 = arith.mulf %div3A_119, %mul3A_121 : vector<16xf32>
      %convert_element_type3A_123 = arith.fptosi %mul3A_122 : vector<16xf32> to vector<16xi32>
      %swap3A_124 = arith.index_cast %mul3A_107 : i32 to index
      %swap3A_125 = tpu.vector_load %arg9[%swap3A_124] {strides = array<i32>} : memref<1024xi32, #tpu.memory_space<vmem>>, vector<16xi32>,
      tpu.vector_store %arg9[%swap3A_124], %convert_element_type3A_123 {strides = array<i32>} : memref<1024xi32, #tpu.memory_space<vmem>>, vector<16xi32>,
      %add3A_126 = vector.broadcast %mul3A_107 : i32 to vector<16xi32>
      %add3A_127 = arith.addi %add3A_126, %iota3A : vector<16xi32>
      tpu.vector_store_idx %arg7[%convert_element_type3A_123, %add3A_127], %broadcast_in_dim3A_3 : memref<32x1024xf32, #tpu.memory_space<vmem>>[vector<16xi32>, vector<16xi32>], vector<16xf32>,
      %mul3A_128 = arith.constant 4 : i32
      %mul3A_129 = arith.muli %scan3A_55, %mul3A_128 : i32
      %add3A_130 = arith.constant 3 : i32
      %add3A_131 = arith.addi %mul3A_129, %add3A_130 : i32
      %mul3A_132 = arith.constant 16 : i32
      %mul3A_133 = arith.muli %add3A_131, %mul3A_132 : i32
      %get3A_134 = arith.index_cast %mul3A_133 : i32 to index
      %get3A_135 = tpu.vector_load %arg5[%get3A_134] {strides = array<i32>} : memref<1024xf32, #tpu.memory_space<vmem>>, vector<16xf32>,
      %neg3A_136 = arith.constant 0.000000e+00 : f32
      %neg3A_137 = vector.broadcast %neg3A_136 : f32 to vector<16xf32>
      %neg3A_138 = arith.subf %neg3A_137, %get3A_135 : vector<16xf32>
      %exp3A_139 = math.exp %neg3A_138 : vector<16xf32>
      %add3A_140 = arith.constant 1.000000e+00 : f32
      %add3A_141 = vector.broadcast %add3A_140 : f32 to vector<16xf32>
      %add3A_142 = arith.addf %add3A_141, %exp3A_139 : vector<16xf32>
      %div3A_143 = arith.constant 1.000000e+00 : f32
      %div3A_144 = vector.broadcast %div3A_143 : f32 to vector<16xf32>
      %div3A_145 = arith.divf %div3A_144, %add3A_142 : vector<16xf32>
      %mul3A_146 = arith.constant 1.000000e+01 : f32
      %mul3A_147 = vector.broadcast %mul3A_146 : f32 to vector<16xf32>
      %mul3A_148 = arith.mulf %div3A_145, %mul3A_147 : vector<16xf32>
      %convert_element_type3A_149 = arith.fptosi %mul3A_148 : vector<16xf32> to vector<16xi32>
      %swap3A_150 = arith.index_cast %mul3A_133 : i32 to index
      %swap3A_151 = tpu.vector_load %arg9[%swap3A_150] {strides = array<i32>} : memref<1024xi32, #tpu.memory_space<vmem>>, vector<16xi32>,
      tpu.vector_store %arg9[%swap3A_150], %convert_element_type3A_149 {strides = array<i32>} : memref<1024xi32, #tpu.memory_space<vmem>>, vector<16xi32>,
      %add3A_152 = vector.broadcast %mul3A_133 : i32 to vector<16xi32>
      %add3A_153 = arith.addi %add3A_152, %iota3A : vector<16xi32>
      tpu.vector_store_idx %arg7[%convert_element_type3A_149, %add3A_153], %broadcast_in_dim3A_3 : memref<32x1024xf32, #tpu.memory_space<vmem>>[vector<16xi32>, vector<16xi32>], vector<16xf32>,
    }
    %scan3A_31 = arith.constant 16 : i32
    %mul3A_32 = arith.constant 32 : i32
    %mul3A_33 = arith.muli %add3A, %mul3A_32 : i32
    %dma_start3A_34 = arith.constant 1024 : i32
    %dma_start3A_35 = tpu.memref_slice %arg3[%mul3A_33, %dma_start3A_34] : memref<1024x98304xf32, #tpu.memory_space<hbm>> -> memref<32x1024xf32, #tpu.memory_space<hbm>>
    %dma_start3A_36 = arith.constant 1024 : i32
    %dma_start3A_37 = tpu.memref_slice %arg3[%mul3A_33, %dma_start3A_36] : memref<1024x98304xf32, #tpu.memory_space<hbm>> -> memref<32x1024xf32, #tpu.memory_space<hbm>>
    tpu.enqueue_dma source(%arg7 : memref<32x1024xf32, #tpu.memory_space<vmem>>) target(%dma_start3A_37 : memref<32x1024xf32, #tpu.memory_space<hbm>>) target_semaphore(%arg11 : memref<!tpu.dma_semaphore, #tpu.memory_space<semaphore_mem>>)
    %scan3A_38 = arith.constant 0 : i32
    %scan3A_39 = arith.constant 1 : i32
    %scan3A_40 = arith.constant 47 : i32
    %scan3A_41 = arith.addi %scan3A_39, %scan3A_40 : i32
    %scan3A_42 = arith.constant 1 : i32
    scf.for %scan3A_55 = %scan3A_39 to %scan3A_41 step %scan3A_42  : i32 {
      %mul3A_56 = arith.constant 2 : i32
      %mul3A_57 = arith.muli %mul3A_56, %scan3A_55 : i32
      %mul3A_58 = arith.constant 32 : i32
      %mul3A_59 = arith.muli %add3A, %mul3A_58 : i32
      %mul3A_60 = arith.constant 1024 : i32
      %mul3A_61 = arith.muli %mul3A_57, %mul3A_60 : i32
      %dma_wait3A_62 = tpu.memref_slice %arg3[%mul3A_59, %mul3A_61] : memref<1024x98304xf32, #tpu.memory_space<hbm>> -> memref<32x1024xf32, #tpu.memory_space<hbm>>
      %dma_wait3A_63 = tpu.memref_slice %arg3[%mul3A_59, %mul3A_61] : memref<1024x98304xf32, #tpu.memory_space<hbm>> -> memref<32x1024xf32, #tpu.memory_space<hbm>>
      tpu.wait_dma2 semaphore(%arg10 : memref<!tpu.dma_semaphore, #tpu.memory_space<semaphore_mem>>) src(%arg6 : memref<32x1024xf32, #tpu.memory_space<vmem>>) dst(%dma_wait3A_63 : memref<32x1024xf32, #tpu.memory_space<hbm>>)
      %scan3A_64 = arith.constant 0 : i32
      %scan3A_65 = arith.constant 0 : i32
      %scan3A_66 = arith.constant 16 : i32
      %scan3A_67 = arith.addi %scan3A_65, %scan3A_66 : i32
      %scan3A_68 = arith.constant 1 : i32
      scf.for %scan3A_112 = %scan3A_65 to %scan3A_67 step %scan3A_68  : i32 {
        %mul3A_113 = arith.constant 4 : i32
        %mul3A_114 = arith.muli %scan3A_112, %mul3A_113 : i32
        %add3A_115 = arith.constant 0 : i32
        %add3A_116 = arith.addi %mul3A_114, %add3A_115 : i32
        %mul3A_117 = arith.constant 16 : i32
        %mul3A_118 = arith.muli %add3A_116, %mul3A_117 : i32
        %get3A = arith.index_cast %mul3A_118 : i32 to index
        %get3A_119 = tpu.vector_load %arg8[%get3A] {strides = array<i32>} : memref<1024xi32, #tpu.memory_space<vmem>>, vector<16xi32>,
        %add3A_120 = vector.broadcast %mul3A_118 : i32 to vector<16xi32>
        %add3A_121 = arith.addi %add3A_120, %iota3A : vector<16xi32>
        tpu.vector_store_idx %arg6[%get3A_119, %add3A_121], %broadcast_in_dim3A_1 : memref<32x1024xf32, #tpu.memory_space<vmem>>[vector<16xi32>, vector<16xi32>], vector<16xf32>,
        %mul3A_122 = arith.constant 4 : i32
        %mul3A_123 = arith.muli %scan3A_112, %mul3A_122 : i32
        %add3A_124 = arith.constant 1 : i32
        %add3A_125 = arith.addi %mul3A_123, %add3A_124 : i32
        %mul3A_126 = arith.constant 16 : i32
        %mul3A_127 = arith.muli %add3A_125, %mul3A_126 : i32
        %get3A_128 = arith.index_cast %mul3A_127 : i32 to index
        %get3A_129 = tpu.vector_load %arg8[%get3A_128] {strides = array<i32>} : memref<1024xi32, #tpu.memory_space<vmem>>, vector<16xi32>,
        %add3A_130 = vector.broadcast %mul3A_127 : i32 to vector<16xi32>
        %add3A_131 = arith.addi %add3A_130, %iota3A : vector<16xi32>
        tpu.vector_store_idx %arg6[%get3A_129, %add3A_131], %broadcast_in_dim3A_1 : memref<32x1024xf32, #tpu.memory_space<vmem>>[vector<16xi32>, vector<16xi32>], vector<16xf32>,
        %mul3A_132 = arith.constant 4 : i32
        %mul3A_133 = arith.muli %scan3A_112, %mul3A_132 : i32
        %add3A_134 = arith.constant 2 : i32
        %add3A_135 = arith.addi %mul3A_133, %add3A_134 : i32
        %mul3A_136 = arith.constant 16 : i32
        %mul3A_137 = arith.muli %add3A_135, %mul3A_136 : i32
        %get3A_138 = arith.index_cast %mul3A_137 : i32 to index
        %get3A_139 = tpu.vector_load %arg8[%get3A_138] {strides = array<i32>} : memref<1024xi32, #tpu.memory_space<vmem>>, vector<16xi32>,
        %add3A_140 = vector.broadcast %mul3A_137 : i32 to vector<16xi32>
        %add3A_141 = arith.addi %add3A_140, %iota3A : vector<16xi32>
        tpu.vector_store_idx %arg6[%get3A_139, %add3A_141], %broadcast_in_dim3A_1 : memref<32x1024xf32, #tpu.memory_space<vmem>>[vector<16xi32>, vector<16xi32>], vector<16xf32>,
        %mul3A_142 = arith.constant 4 : i32
        %mul3A_143 = arith.muli %scan3A_112, %mul3A_142 : i32
        %add3A_144 = arith.constant 3 : i32
        %add3A_145 = arith.addi %mul3A_143, %add3A_144 : i32
        %mul3A_146 = arith.constant 16 : i32
        %mul3A_147 = arith.muli %add3A_145, %mul3A_146 : i32
        %get3A_148 = arith.index_cast %mul3A_147 : i32 to index
        %get3A_149 = tpu.vector_load %arg8[%get3A_148] {strides = array<i32>} : memref<1024xi32, #tpu.memory_space<vmem>>, vector<16xi32>,
        %add3A_150 = vector.broadcast %mul3A_147 : i32 to vector<16xi32>
        %add3A_151 = arith.addi %add3A_150, %iota3A : vector<16xi32>
        tpu.vector_store_idx %arg6[%get3A_149, %add3A_151], %broadcast_in_dim3A_1 : memref<32x1024xf32, #tpu.memory_space<vmem>>[vector<16xi32>, vector<16xi32>], vector<16xf32>,
      }
      %scan3A_69 = arith.constant 16 : i32
      %mul3A_70 = arith.constant 1024 : i32
      %mul3A_71 = arith.muli %mul3A_57, %mul3A_70 : i32
      "tpu.region"() ({
        %run_scoped3A = tpu.sem_alloc : memref<!tpu.dma_semaphore, #tpu.memory_space<semaphore_mem>>
        %dma_start3A_112 = tpu.memref_slice %arg2[%add3A, %mul3A_71] : memref<32x98304xf32, #tpu.memory_space<hbm>> -> memref<1x1024xf32, #tpu.memory_space<hbm>>
        %dma_start3A_113 = tpu.memref_squeeze %dma_start3A_112 : memref<1x1024xf32, #tpu.memory_space<hbm>> -> memref<1024xf32, #tpu.memory_space<hbm>>
        %dma_start3A_114 = tpu.memref_slice %arg2[%add3A, %mul3A_71] : memref<32x98304xf32, #tpu.memory_space<hbm>> -> memref<1x1024xf32, #tpu.memory_space<hbm>>
        %dma_start3A_115 = tpu.memref_squeeze %dma_start3A_114 : memref<1x1024xf32, #tpu.memory_space<hbm>> -> memref<1024xf32, #tpu.memory_space<hbm>>
        tpu.enqueue_dma source(%dma_start3A_115 : memref<1024xf32, #tpu.memory_space<hbm>>) target(%arg4 : memref<1024xf32, #tpu.memory_space<vmem>>) target_semaphore(%run_scoped3A : memref<!tpu.dma_semaphore, #tpu.memory_space<semaphore_mem>>)
        %dma_wait3A_116 = tpu.memref_slice %arg2[%add3A, %mul3A_71] : memref<32x98304xf32, #tpu.memory_space<hbm>> -> memref<1x1024xf32, #tpu.memory_space<hbm>>
        %dma_wait3A_117 = tpu.memref_squeeze %dma_wait3A_116 : memref<1x1024xf32, #tpu.memory_space<hbm>> -> memref<1024xf32, #tpu.memory_space<hbm>>
        %dma_wait3A_118 = tpu.memref_slice %arg2[%add3A, %mul3A_71] : memref<32x98304xf32, #tpu.memory_space<hbm>> -> memref<1x1024xf32, #tpu.memory_space<hbm>>
        %dma_wait3A_119 = tpu.memref_squeeze %dma_wait3A_118 : memref<1x1024xf32, #tpu.memory_space<hbm>> -> memref<1024xf32, #tpu.memory_space<hbm>>
        tpu.wait_dma2 semaphore(%run_scoped3A : memref<!tpu.dma_semaphore, #tpu.memory_space<semaphore_mem>>) src(%dma_wait3A_119 : memref<1024xf32, #tpu.memory_space<hbm>>) dst(%arg4 : memref<1024xf32, #tpu.memory_space<vmem>>)
        tpu.yield
      }) : () -> ()
      %scan3A_72 = arith.constant 0 : i32
      %scan3A_73 = arith.constant 0 : i32
      %scan3A_74 = arith.constant 16 : i32
      %scan3A_75 = arith.addi %scan3A_73, %scan3A_74 : i32
      %scan3A_76 = arith.constant 1 : i32
      scf.for %scan3A_112 = %scan3A_73 to %scan3A_75 step %scan3A_76  : i32 {
        %mul3A_113 = arith.constant 4 : i32
        %mul3A_114 = arith.muli %scan3A_112, %mul3A_113 : i32
        %add3A_115 = arith.constant 0 : i32
        %add3A_116 = arith.addi %mul3A_114, %add3A_115 : i32
        %mul3A_117 = arith.constant 16 : i32
        %mul3A_118 = arith.muli %add3A_116, %mul3A_117 : i32
        %get3A = arith.index_cast %mul3A_118 : i32 to index
        %get3A_119 = tpu.vector_load %arg4[%get3A] {strides = array<i32>} : memref<1024xf32, #tpu.memory_space<vmem>>, vector<16xf32>,
        %neg3A = arith.constant 0.000000e+00 : f32
        %neg3A_120 = vector.broadcast %neg3A : f32 to vector<16xf32>
        %neg3A_121 = arith.subf %neg3A_120, %get3A_119 : vector<16xf32>
        %exp3A = math.exp %neg3A_121 : vector<16xf32>
        %add3A_122 = arith.constant 1.000000e+00 : f32
        %add3A_123 = vector.broadcast %add3A_122 : f32 to vector<16xf32>
        %add3A_124 = arith.addf %add3A_123, %exp3A : vector<16xf32>
        %div3A = arith.constant 1.000000e+00 : f32
        %div3A_125 = vector.broadcast %div3A : f32 to vector<16xf32>
        %div3A_126 = arith.divf %div3A_125, %add3A_124 : vector<16xf32>
        %mul3A_127 = arith.constant 1.000000e+01 : f32
        %mul3A_128 = vector.broadcast %mul3A_127 : f32 to vector<16xf32>
        %mul3A_129 = arith.mulf %div3A_126, %mul3A_128 : vector<16xf32>
        %convert_element_type3A = arith.fptosi %mul3A_129 : vector<16xf32> to vector<16xi32>
        %swap3A = arith.index_cast %mul3A_118 : i32 to index
        %swap3A_130 = tpu.vector_load %arg8[%swap3A] {strides = array<i32>} : memref<1024xi32, #tpu.memory_space<vmem>>, vector<16xi32>,
        tpu.vector_store %arg8[%swap3A], %convert_element_type3A {strides = array<i32>} : memref<1024xi32, #tpu.memory_space<vmem>>, vector<16xi32>,
        %add3A_131 = vector.broadcast %mul3A_118 : i32 to vector<16xi32>
        %add3A_132 = arith.addi %add3A_131, %iota3A : vector<16xi32>
        tpu.vector_store_idx %arg6[%convert_element_type3A, %add3A_132], %broadcast_in_dim3A_3 : memref<32x1024xf32, #tpu.memory_space<vmem>>[vector<16xi32>, vector<16xi32>], vector<16xf32>,
        %mul3A_133 = arith.constant 4 : i32
        %mul3A_134 = arith.muli %scan3A_112, %mul3A_133 : i32
        %add3A_135 = arith.constant 1 : i32
        %add3A_136 = arith.addi %mul3A_134, %add3A_135 : i32
        %mul3A_137 = arith.constant 16 : i32
        %mul3A_138 = arith.muli %add3A_136, %mul3A_137 : i32
        %get3A_139 = arith.index_cast %mul3A_138 : i32 to index
        %get3A_140 = tpu.vector_load %arg4[%get3A_139] {strides = array<i32>} : memref<1024xf32, #tpu.memory_space<vmem>>, vector<16xf32>,
        %neg3A_141 = arith.constant 0.000000e+00 : f32
        %neg3A_142 = vector.broadcast %neg3A_141 : f32 to vector<16xf32>
        %neg3A_143 = arith.subf %neg3A_142, %get3A_140 : vector<16xf32>
        %exp3A_144 = math.exp %neg3A_143 : vector<16xf32>
        %add3A_145 = arith.constant 1.000000e+00 : f32
        %add3A_146 = vector.broadcast %add3A_145 : f32 to vector<16xf32>
        %add3A_147 = arith.addf %add3A_146, %exp3A_144 : vector<16xf32>
        %div3A_148 = arith.constant 1.000000e+00 : f32
        %div3A_149 = vector.broadcast %div3A_148 : f32 to vector<16xf32>
        %div3A_150 = arith.divf %div3A_149, %add3A_147 : vector<16xf32>
        %mul3A_151 = arith.constant 1.000000e+01 : f32
        %mul3A_152 = vector.broadcast %mul3A_151 : f32 to vector<16xf32>
        %mul3A_153 = arith.mulf %div3A_150, %mul3A_152 : vector<16xf32>
        %convert_element_type3A_154 = arith.fptosi %mul3A_153 : vector<16xf32> to vector<16xi32>
        %swap3A_155 = arith.index_cast %mul3A_138 : i32 to index
        %swap3A_156 = tpu.vector_load %arg8[%swap3A_155] {strides = array<i32>} : memref<1024xi32, #tpu.memory_space<vmem>>, vector<16xi32>,
        tpu.vector_store %arg8[%swap3A_155], %convert_element_type3A_154 {strides = array<i32>} : memref<1024xi32, #tpu.memory_space<vmem>>, vector<16xi32>,
        %add3A_157 = vector.broadcast %mul3A_138 : i32 to vector<16xi32>
        %add3A_158 = arith.addi %add3A_157, %iota3A : vector<16xi32>
        tpu.vector_store_idx %arg6[%convert_element_type3A_154, %add3A_158], %broadcast_in_dim3A_3 : memref<32x1024xf32, #tpu.memory_space<vmem>>[vector<16xi32>, vector<16xi32>], vector<16xf32>,
        %mul3A_159 = arith.constant 4 : i32
        %mul3A_160 = arith.muli %scan3A_112, %mul3A_159 : i32
        %add3A_161 = arith.constant 2 : i32
        %add3A_162 = arith.addi %mul3A_160, %add3A_161 : i32
        %mul3A_163 = arith.constant 16 : i32
        %mul3A_164 = arith.muli %add3A_162, %mul3A_163 : i32
        %get3A_165 = arith.index_cast %mul3A_164 : i32 to index
        %get3A_166 = tpu.vector_load %arg4[%get3A_165] {strides = array<i32>} : memref<1024xf32, #tpu.memory_space<vmem>>, vector<16xf32>,
        %neg3A_167 = arith.constant 0.000000e+00 : f32
        %neg3A_168 = vector.broadcast %neg3A_167 : f32 to vector<16xf32>
        %neg3A_169 = arith.subf %neg3A_168, %get3A_166 : vector<16xf32>
        %exp3A_170 = math.exp %neg3A_169 : vector<16xf32>
        %add3A_171 = arith.constant 1.000000e+00 : f32
        %add3A_172 = vector.broadcast %add3A_171 : f32 to vector<16xf32>
        %add3A_173 = arith.addf %add3A_172, %exp3A_170 : vector<16xf32>
        %div3A_174 = arith.constant 1.000000e+00 : f32
        %div3A_175 = vector.broadcast %div3A_174 : f32 to vector<16xf32>
        %div3A_176 = arith.divf %div3A_175, %add3A_173 : vector<16xf32>
        %mul3A_177 = arith.constant 1.000000e+01 : f32
        %mul3A_178 = vector.broadcast %mul3A_177 : f32 to vector<16xf32>
        %mul3A_179 = arith.mulf %div3A_176, %mul3A_178 : vector<16xf32>
        %convert_element_type3A_180 = arith.fptosi %mul3A_179 : vector<16xf32> to vector<16xi32>
        %swap3A_181 = arith.index_cast %mul3A_164 : i32 to index
        %swap3A_182 = tpu.vector_load %arg8[%swap3A_181] {strides = array<i32>} : memref<1024xi32, #tpu.memory_space<vmem>>, vector<16xi32>,
        tpu.vector_store %arg8[%swap3A_181], %convert_element_type3A_180 {strides = array<i32>} : memref<1024xi32, #tpu.memory_space<vmem>>, vector<16xi32>,
        %add3A_183 = vector.broadcast %mul3A_164 : i32 to vector<16xi32>
        %add3A_184 = arith.addi %add3A_183, %iota3A : vector<16xi32>
        tpu.vector_store_idx %arg6[%convert_element_type3A_180, %add3A_184], %broadcast_in_dim3A_3 : memref<32x1024xf32, #tpu.memory_space<vmem>>[vector<16xi32>, vector<16xi32>], vector<16xf32>,
        %mul3A_185 = arith.constant 4 : i32
        %mul3A_186 = arith.muli %scan3A_112, %mul3A_185 : i32
        %add3A_187 = arith.constant 3 : i32
        %add3A_188 = arith.addi %mul3A_186, %add3A_187 : i32
        %mul3A_189 = arith.constant 16 : i32
        %mul3A_190 = arith.muli %add3A_188, %mul3A_189 : i32
        %get3A_191 = arith.index_cast %mul3A_190 : i32 to index
        %get3A_192 = tpu.vector_load %arg4[%get3A_191] {strides = array<i32>} : memref<1024xf32, #tpu.memory_space<vmem>>, vector<16xf32>,
        %neg3A_193 = arith.constant 0.000000e+00 : f32
        %neg3A_194 = vector.broadcast %neg3A_193 : f32 to vector<16xf32>
        %neg3A_195 = arith.subf %neg3A_194, %get3A_192 : vector<16xf32>
        %exp3A_196 = math.exp %neg3A_195 : vector<16xf32>
        %add3A_197 = arith.constant 1.000000e+00 : f32
        %add3A_198 = vector.broadcast %add3A_197 : f32 to vector<16xf32>
        %add3A_199 = arith.addf %add3A_198, %exp3A_196 : vector<16xf32>
        %div3A_200 = arith.constant 1.000000e+00 : f32
        %div3A_201 = vector.broadcast %div3A_200 : f32 to vector<16xf32>
        %div3A_202 = arith.divf %div3A_201, %add3A_199 : vector<16xf32>
        %mul3A_203 = arith.constant 1.000000e+01 : f32
        %mul3A_204 = vector.broadcast %mul3A_203 : f32 to vector<16xf32>
        %mul3A_205 = arith.mulf %div3A_202, %mul3A_204 : vector<16xf32>
        %convert_element_type3A_206 = arith.fptosi %mul3A_205 : vector<16xf32> to vector<16xi32>
        %swap3A_207 = arith.index_cast %mul3A_190 : i32 to index
        %swap3A_208 = tpu.vector_load %arg8[%swap3A_207] {strides = array<i32>} : memref<1024xi32, #tpu.memory_space<vmem>>, vector<16xi32>,
        tpu.vector_store %arg8[%swap3A_207], %convert_element_type3A_206 {strides = array<i32>} : memref<1024xi32, #tpu.memory_space<vmem>>, vector<16xi32>,
        %add3A_209 = vector.broadcast %mul3A_190 : i32 to vector<16xi32>
        %add3A_210 = arith.addi %add3A_209, %iota3A : vector<16xi32>
        tpu.vector_store_idx %arg6[%convert_element_type3A_206, %add3A_210], %broadcast_in_dim3A_3 : memref<32x1024xf32, #tpu.memory_space<vmem>>[vector<16xi32>, vector<16xi32>], vector<16xf32>,
      }
      %scan3A_77 = arith.constant 16 : i32
      %mul3A_78 = arith.constant 32 : i32
      %mul3A_79 = arith.muli %add3A, %mul3A_78 : i32
      %mul3A_80 = arith.constant 1024 : i32
      %mul3A_81 = arith.muli %mul3A_57, %mul3A_80 : i32
      %dma_start3A_82 = tpu.memref_slice %arg3[%mul3A_79, %mul3A_81] : memref<1024x98304xf32, #tpu.memory_space<hbm>> -> memref<32x1024xf32, #tpu.memory_space<hbm>>
      %dma_start3A_83 = tpu.memref_slice %arg3[%mul3A_79, %mul3A_81] : memref<1024x98304xf32, #tpu.memory_space<hbm>> -> memref<32x1024xf32, #tpu.memory_space<hbm>>
      tpu.enqueue_dma source(%arg6 : memref<32x1024xf32, #tpu.memory_space<vmem>>) target(%dma_start3A_83 : memref<32x1024xf32, #tpu.memory_space<hbm>>) target_semaphore(%arg10 : memref<!tpu.dma_semaphore, #tpu.memory_space<semaphore_mem>>)
      %add3A_84 = arith.constant 1 : i32
      %add3A_85 = arith.addi %mul3A_57, %add3A_84 : i32
      %mul3A_86 = arith.constant 32 : i32
      %mul3A_87 = arith.muli %add3A, %mul3A_86 : i32
      %mul3A_88 = arith.constant 1024 : i32
      %mul3A_89 = arith.muli %add3A_85, %mul3A_88 : i32
      %dma_wait3A_90 = tpu.memref_slice %arg3[%mul3A_87, %mul3A_89] : memref<1024x98304xf32, #tpu.memory_space<hbm>> -> memref<32x1024xf32, #tpu.memory_space<hbm>>
      %dma_wait3A_91 = tpu.memref_slice %arg3[%mul3A_87, %mul3A_89] : memref<1024x98304xf32, #tpu.memory_space<hbm>> -> memref<32x1024xf32, #tpu.memory_space<hbm>>
      tpu.wait_dma2 semaphore(%arg11 : memref<!tpu.dma_semaphore, #tpu.memory_space<semaphore_mem>>) src(%arg7 : memref<32x1024xf32, #tpu.memory_space<vmem>>) dst(%dma_wait3A_91 : memref<32x1024xf32, #tpu.memory_space<hbm>>)
      %scan3A_92 = arith.constant 0 : i32
      %scan3A_93 = arith.constant 0 : i32
      %scan3A_94 = arith.constant 16 : i32
      %scan3A_95 = arith.addi %scan3A_93, %scan3A_94 : i32
      %scan3A_96 = arith.constant 1 : i32
      scf.for %scan3A_112 = %scan3A_93 to %scan3A_95 step %scan3A_96  : i32 {
        %mul3A_113 = arith.constant 4 : i32
        %mul3A_114 = arith.muli %scan3A_112, %mul3A_113 : i32
        %add3A_115 = arith.constant 0 : i32
        %add3A_116 = arith.addi %mul3A_114, %add3A_115 : i32
        %mul3A_117 = arith.constant 16 : i32
        %mul3A_118 = arith.muli %add3A_116, %mul3A_117 : i32
        %get3A = arith.index_cast %mul3A_118 : i32 to index
        %get3A_119 = tpu.vector_load %arg9[%get3A] {strides = array<i32>} : memref<1024xi32, #tpu.memory_space<vmem>>, vector<16xi32>,
        %add3A_120 = vector.broadcast %mul3A_118 : i32 to vector<16xi32>
        %add3A_121 = arith.addi %add3A_120, %iota3A : vector<16xi32>
        tpu.vector_store_idx %arg7[%get3A_119, %add3A_121], %broadcast_in_dim3A_1 : memref<32x1024xf32, #tpu.memory_space<vmem>>[vector<16xi32>, vector<16xi32>], vector<16xf32>,
        %mul3A_122 = arith.constant 4 : i32
        %mul3A_123 = arith.muli %scan3A_112, %mul3A_122 : i32
        %add3A_124 = arith.constant 1 : i32
        %add3A_125 = arith.addi %mul3A_123, %add3A_124 : i32
        %mul3A_126 = arith.constant 16 : i32
        %mul3A_127 = arith.muli %add3A_125, %mul3A_126 : i32
        %get3A_128 = arith.index_cast %mul3A_127 : i32 to index
        %get3A_129 = tpu.vector_load %arg9[%get3A_128] {strides = array<i32>} : memref<1024xi32, #tpu.memory_space<vmem>>, vector<16xi32>,
        %add3A_130 = vector.broadcast %mul3A_127 : i32 to vector<16xi32>
        %add3A_131 = arith.addi %add3A_130, %iota3A : vector<16xi32>
        tpu.vector_store_idx %arg7[%get3A_129, %add3A_131], %broadcast_in_dim3A_1 : memref<32x1024xf32, #tpu.memory_space<vmem>>[vector<16xi32>, vector<16xi32>], vector<16xf32>,
        %mul3A_132 = arith.constant 4 : i32
        %mul3A_133 = arith.muli %scan3A_112, %mul3A_132 : i32
        %add3A_134 = arith.constant 2 : i32
        %add3A_135 = arith.addi %mul3A_133, %add3A_134 : i32
        %mul3A_136 = arith.constant 16 : i32
        %mul3A_137 = arith.muli %add3A_135, %mul3A_136 : i32
        %get3A_138 = arith.index_cast %mul3A_137 : i32 to index
        %get3A_139 = tpu.vector_load %arg9[%get3A_138] {strides = array<i32>} : memref<1024xi32, #tpu.memory_space<vmem>>, vector<16xi32>,
        %add3A_140 = vector.broadcast %mul3A_137 : i32 to vector<16xi32>
        %add3A_141 = arith.addi %add3A_140, %iota3A : vector<16xi32>
        tpu.vector_store_idx %arg7[%get3A_139, %add3A_141], %broadcast_in_dim3A_1 : memref<32x1024xf32, #tpu.memory_space<vmem>>[vector<16xi32>, vector<16xi32>], vector<16xf32>,
        %mul3A_142 = arith.constant 4 : i32
        %mul3A_143 = arith.muli %scan3A_112, %mul3A_142 : i32
        %add3A_144 = arith.constant 3 : i32
        %add3A_145 = arith.addi %mul3A_143, %add3A_144 : i32
        %mul3A_146 = arith.constant 16 : i32
        %mul3A_147 = arith.muli %add3A_145, %mul3A_146 : i32
        %get3A_148 = arith.index_cast %mul3A_147 : i32 to index
        %get3A_149 = tpu.vector_load %arg9[%get3A_148] {strides = array<i32>} : memref<1024xi32, #tpu.memory_space<vmem>>, vector<16xi32>,
        %add3A_150 = vector.broadcast %mul3A_147 : i32 to vector<16xi32>
        %add3A_151 = arith.addi %add3A_150, %iota3A : vector<16xi32>
        tpu.vector_store_idx %arg7[%get3A_149, %add3A_151], %broadcast_in_dim3A_1 : memref<32x1024xf32, #tpu.memory_space<vmem>>[vector<16xi32>, vector<16xi32>], vector<16xf32>,
      }
      %scan3A_97 = arith.constant 16 : i32
      %mul3A_98 = arith.constant 1024 : i32
      %mul3A_99 = arith.muli %add3A_85, %mul3A_98 : i32
      "tpu.region"() ({
        %run_scoped3A = tpu.sem_alloc : memref<!tpu.dma_semaphore, #tpu.memory_space<semaphore_mem>>
        %dma_start3A_112 = tpu.memref_slice %arg2[%add3A, %mul3A_99] : memref<32x98304xf32, #tpu.memory_space<hbm>> -> memref<1x1024xf32, #tpu.memory_space<hbm>>
        %dma_start3A_113 = tpu.memref_squeeze %dma_start3A_112 : memref<1x1024xf32, #tpu.memory_space<hbm>> -> memref<1024xf32, #tpu.memory_space<hbm>>
        %dma_start3A_114 = tpu.memref_slice %arg2[%add3A, %mul3A_99] : memref<32x98304xf32, #tpu.memory_space<hbm>> -> memref<1x1024xf32, #tpu.memory_space<hbm>>
        %dma_start3A_115 = tpu.memref_squeeze %dma_start3A_114 : memref<1x1024xf32, #tpu.memory_space<hbm>> -> memref<1024xf32, #tpu.memory_space<hbm>>
        tpu.enqueue_dma source(%dma_start3A_115 : memref<1024xf32, #tpu.memory_space<hbm>>) target(%arg5 : memref<1024xf32, #tpu.memory_space<vmem>>) target_semaphore(%run_scoped3A : memref<!tpu.dma_semaphore, #tpu.memory_space<semaphore_mem>>)
        %dma_wait3A_116 = tpu.memref_slice %arg2[%add3A, %mul3A_99] : memref<32x98304xf32, #tpu.memory_space<hbm>> -> memref<1x1024xf32, #tpu.memory_space<hbm>>
        %dma_wait3A_117 = tpu.memref_squeeze %dma_wait3A_116 : memref<1x1024xf32, #tpu.memory_space<hbm>> -> memref<1024xf32, #tpu.memory_space<hbm>>
        %dma_wait3A_118 = tpu.memref_slice %arg2[%add3A, %mul3A_99] : memref<32x98304xf32, #tpu.memory_space<hbm>> -> memref<1x1024xf32, #tpu.memory_space<hbm>>
        %dma_wait3A_119 = tpu.memref_squeeze %dma_wait3A_118 : memref<1x1024xf32, #tpu.memory_space<hbm>> -> memref<1024xf32, #tpu.memory_space<hbm>>
        tpu.wait_dma2 semaphore(%run_scoped3A : memref<!tpu.dma_semaphore, #tpu.memory_space<semaphore_mem>>) src(%dma_wait3A_119 : memref<1024xf32, #tpu.memory_space<hbm>>) dst(%arg5 : memref<1024xf32, #tpu.memory_space<vmem>>)
        tpu.yield
      }) : () -> ()
      %scan3A_100 = arith.constant 0 : i32
      %scan3A_101 = arith.constant 0 : i32
      %scan3A_102 = arith.constant 16 : i32
      %scan3A_103 = arith.addi %scan3A_101, %scan3A_102 : i32
      %scan3A_104 = arith.constant 1 : i32
      scf.for %scan3A_112 = %scan3A_101 to %scan3A_103 step %scan3A_104  : i32 {
        %mul3A_113 = arith.constant 4 : i32
        %mul3A_114 = arith.muli %scan3A_112, %mul3A_113 : i32
        %add3A_115 = arith.constant 0 : i32
        %add3A_116 = arith.addi %mul3A_114, %add3A_115 : i32
        %mul3A_117 = arith.constant 16 : i32
        %mul3A_118 = arith.muli %add3A_116, %mul3A_117 : i32
        %get3A = arith.index_cast %mul3A_118 : i32 to index
        %get3A_119 = tpu.vector_load %arg5[%get3A] {strides = array<i32>} : memref<1024xf32, #tpu.memory_space<vmem>>, vector<16xf32>,
        %neg3A = arith.constant 0.000000e+00 : f32
        %neg3A_120 = vector.broadcast %neg3A : f32 to vector<16xf32>
        %neg3A_121 = arith.subf %neg3A_120, %get3A_119 : vector<16xf32>
        %exp3A = math.exp %neg3A_121 : vector<16xf32>
        %add3A_122 = arith.constant 1.000000e+00 : f32
        %add3A_123 = vector.broadcast %add3A_122 : f32 to vector<16xf32>
        %add3A_124 = arith.addf %add3A_123, %exp3A : vector<16xf32>
        %div3A = arith.constant 1.000000e+00 : f32
        %div3A_125 = vector.broadcast %div3A : f32 to vector<16xf32>
        %div3A_126 = arith.divf %div3A_125, %add3A_124 : vector<16xf32>
        %mul3A_127 = arith.constant 1.000000e+01 : f32
        %mul3A_128 = vector.broadcast %mul3A_127 : f32 to vector<16xf32>
        %mul3A_129 = arith.mulf %div3A_126, %mul3A_128 : vector<16xf32>
        %convert_element_type3A = arith.fptosi %mul3A_129 : vector<16xf32> to vector<16xi32>
        %swap3A = arith.index_cast %mul3A_118 : i32 to index
        %swap3A_130 = tpu.vector_load %arg9[%swap3A] {strides = array<i32>} : memref<1024xi32, #tpu.memory_space<vmem>>, vector<16xi32>,
        tpu.vector_store %arg9[%swap3A], %convert_element_type3A {strides = array<i32>} : memref<1024xi32, #tpu.memory_space<vmem>>, vector<16xi32>,
        %add3A_131 = vector.broadcast %mul3A_118 : i32 to vector<16xi32>
        %add3A_132 = arith.addi %add3A_131, %iota3A : vector<16xi32>
        tpu.vector_store_idx %arg7[%convert_element_type3A, %add3A_132], %broadcast_in_dim3A_3 : memref<32x1024xf32, #tpu.memory_space<vmem>>[vector<16xi32>, vector<16xi32>], vector<16xf32>,
        %mul3A_133 = arith.constant 4 : i32
        %mul3A_134 = arith.muli %scan3A_112, %mul3A_133 : i32
        %add3A_135 = arith.constant 1 : i32
        %add3A_136 = arith.addi %mul3A_134, %add3A_135 : i32
        %mul3A_137 = arith.constant 16 : i32
        %mul3A_138 = arith.muli %add3A_136, %mul3A_137 : i32
        %get3A_139 = arith.index_cast %mul3A_138 : i32 to index
        %get3A_140 = tpu.vector_load %arg5[%get3A_139] {strides = array<i32>} : memref<1024xf32, #tpu.memory_space<vmem>>, vector<16xf32>,
        %neg3A_141 = arith.constant 0.000000e+00 : f32
        %neg3A_142 = vector.broadcast %neg3A_141 : f32 to vector<16xf32>
        %neg3A_143 = arith.subf %neg3A_142, %get3A_140 : vector<16xf32>
        %exp3A_144 = math.exp %neg3A_143 : vector<16xf32>
        %add3A_145 = arith.constant 1.000000e+00 : f32
        %add3A_146 = vector.broadcast %add3A_145 : f32 to vector<16xf32>
        %add3A_147 = arith.addf %add3A_146, %exp3A_144 : vector<16xf32>
        %div3A_148 = arith.constant 1.000000e+00 : f32
        %div3A_149 = vector.broadcast %div3A_148 : f32 to vector<16xf32>
        %div3A_150 = arith.divf %div3A_149, %add3A_147 : vector<16xf32>
        %mul3A_151 = arith.constant 1.000000e+01 : f32
        %mul3A_152 = vector.broadcast %mul3A_151 : f32 to vector<16xf32>
        %mul3A_153 = arith.mulf %div3A_150, %mul3A_152 : vector<16xf32>
        %convert_element_type3A_154 = arith.fptosi %mul3A_153 : vector<16xf32> to vector<16xi32>
        %swap3A_155 = arith.index_cast %mul3A_138 : i32 to index
        %swap3A_156 = tpu.vector_load %arg9[%swap3A_155] {strides = array<i32>} : memref<1024xi32, #tpu.memory_space<vmem>>, vector<16xi32>,
        tpu.vector_store %arg9[%swap3A_155], %convert_element_type3A_154 {strides = array<i32>} : memref<1024xi32, #tpu.memory_space<vmem>>, vector<16xi32>,
        %add3A_157 = vector.broadcast %mul3A_138 : i32 to vector<16xi32>
        %add3A_158 = arith.addi %add3A_157, %iota3A : vector<16xi32>
        tpu.vector_store_idx %arg7[%convert_element_type3A_154, %add3A_158], %broadcast_in_dim3A_3 : memref<32x1024xf32, #tpu.memory_space<vmem>>[vector<16xi32>, vector<16xi32>], vector<16xf32>,
        %mul3A_159 = arith.constant 4 : i32
        %mul3A_160 = arith.muli %scan3A_112, %mul3A_159 : i32
        %add3A_161 = arith.constant 2 : i32
        %add3A_162 = arith.addi %mul3A_160, %add3A_161 : i32
        %mul3A_163 = arith.constant 16 : i32
        %mul3A_164 = arith.muli %add3A_162, %mul3A_163 : i32
        %get3A_165 = arith.index_cast %mul3A_164 : i32 to index
        %get3A_166 = tpu.vector_load %arg5[%get3A_165] {strides = array<i32>} : memref<1024xf32, #tpu.memory_space<vmem>>, vector<16xf32>,
        %neg3A_167 = arith.constant 0.000000e+00 : f32
        %neg3A_168 = vector.broadcast %neg3A_167 : f32 to vector<16xf32>
        %neg3A_169 = arith.subf %neg3A_168, %get3A_166 : vector<16xf32>
        %exp3A_170 = math.exp %neg3A_169 : vector<16xf32>
        %add3A_171 = arith.constant 1.000000e+00 : f32
        %add3A_172 = vector.broadcast %add3A_171 : f32 to vector<16xf32>
        %add3A_173 = arith.addf %add3A_172, %exp3A_170 : vector<16xf32>
        %div3A_174 = arith.constant 1.000000e+00 : f32
        %div3A_175 = vector.broadcast %div3A_174 : f32 to vector<16xf32>
        %div3A_176 = arith.divf %div3A_175, %add3A_173 : vector<16xf32>
        %mul3A_177 = arith.constant 1.000000e+01 : f32
        %mul3A_178 = vector.broadcast %mul3A_177 : f32 to vector<16xf32>
        %mul3A_179 = arith.mulf %div3A_176, %mul3A_178 : vector<16xf32>
        %convert_element_type3A_180 = arith.fptosi %mul3A_179 : vector<16xf32> to vector<16xi32>
        %swap3A_181 = arith.index_cast %mul3A_164 : i32 to index
        %swap3A_182 = tpu.vector_load %arg9[%swap3A_181] {strides = array<i32>} : memref<1024xi32, #tpu.memory_space<vmem>>, vector<16xi32>,
        tpu.vector_store %arg9[%swap3A_181], %convert_element_type3A_180 {strides = array<i32>} : memref<1024xi32, #tpu.memory_space<vmem>>, vector<16xi32>,
        %add3A_183 = vector.broadcast %mul3A_164 : i32 to vector<16xi32>
        %add3A_184 = arith.addi %add3A_183, %iota3A : vector<16xi32>
        tpu.vector_store_idx %arg7[%convert_element_type3A_180, %add3A_184], %broadcast_in_dim3A_3 : memref<32x1024xf32, #tpu.memory_space<vmem>>[vector<16xi32>, vector<16xi32>], vector<16xf32>,
        %mul3A_185 = arith.constant 4 : i32
        %mul3A_186 = arith.muli %scan3A_112, %mul3A_185 : i32
        %add3A_187 = arith.constant 3 : i32
        %add3A_188 = arith.addi %mul3A_186, %add3A_187 : i32
        %mul3A_189 = arith.constant 16 : i32
        %mul3A_190 = arith.muli %add3A_188, %mul3A_189 : i32
        %get3A_191 = arith.index_cast %mul3A_190 : i32 to index
        %get3A_192 = tpu.vector_load %arg5[%get3A_191] {strides = array<i32>} : memref<1024xf32, #tpu.memory_space<vmem>>, vector<16xf32>,
        %neg3A_193 = arith.constant 0.000000e+00 : f32
        %neg3A_194 = vector.broadcast %neg3A_193 : f32 to vector<16xf32>
        %neg3A_195 = arith.subf %neg3A_194, %get3A_192 : vector<16xf32>
        %exp3A_196 = math.exp %neg3A_195 : vector<16xf32>
        %add3A_197 = arith.constant 1.000000e+00 : f32
        %add3A_198 = vector.broadcast %add3A_197 : f32 to vector<16xf32>
        %add3A_199 = arith.addf %add3A_198, %exp3A_196 : vector<16xf32>
        %div3A_200 = arith.constant 1.000000e+00 : f32
        %div3A_201 = vector.broadcast %div3A_200 : f32 to vector<16xf32>
        %div3A_202 = arith.divf %div3A_201, %add3A_199 : vector<16xf32>
        %mul3A_203 = arith.constant 1.000000e+01 : f32
        %mul3A_204 = vector.broadcast %mul3A_203 : f32 to vector<16xf32>
        %mul3A_205 = arith.mulf %div3A_202, %mul3A_204 : vector<16xf32>
        %convert_element_type3A_206 = arith.fptosi %mul3A_205 : vector<16xf32> to vector<16xi32>
        %swap3A_207 = arith.index_cast %mul3A_190 : i32 to index
        %swap3A_208 = tpu.vector_load %arg9[%swap3A_207] {strides = array<i32>} : memref<1024xi32, #tpu.memory_space<vmem>>, vector<16xi32>,
        tpu.vector_store %arg9[%swap3A_207], %convert_element_type3A_206 {strides = array<i32>} : memref<1024xi32, #tpu.memory_space<vmem>>, vector<16xi32>,
        %add3A_209 = vector.broadcast %mul3A_190 : i32 to vector<16xi32>
        %add3A_210 = arith.addi %add3A_209, %iota3A : vector<16xi32>
        tpu.vector_store_idx %arg7[%convert_element_type3A_206, %add3A_210], %broadcast_in_dim3A_3 : memref<32x1024xf32, #tpu.memory_space<vmem>>[vector<16xi32>, vector<16xi32>], vector<16xf32>,
      }
      %scan3A_105 = arith.constant 16 : i32
      %mul3A_106 = arith.constant 32 : i32
      %mul3A_107 = arith.muli %add3A, %mul3A_106 : i32
      %mul3A_108 = arith.constant 1024 : i32
      %mul3A_109 = arith.muli %add3A_85, %mul3A_108 : i32
      %dma_start3A_110 = tpu.memref_slice %arg3[%mul3A_107, %mul3A_109] : memref<1024x98304xf32, #tpu.memory_space<hbm>> -> memref<32x1024xf32, #tpu.memory_space<hbm>>
      %dma_start3A_111 = tpu.memref_slice %arg3[%mul3A_107, %mul3A_109] : memref<1024x98304xf32, #tpu.memory_space<hbm>> -> memref<32x1024xf32, #tpu.memory_space<hbm>>
      tpu.enqueue_dma source(%arg7 : memref<32x1024xf32, #tpu.memory_space<vmem>>) target(%dma_start3A_111 : memref<32x1024xf32, #tpu.memory_space<hbm>>) target_semaphore(%arg11 : memref<!tpu.dma_semaphore, #tpu.memory_space<semaphore_mem>>)
    }
    %scan3A_43 = arith.constant 47 : i32
    %mul3A_44 = arith.constant 32 : i32
    %mul3A_45 = arith.muli %add3A, %mul3A_44 : i32
    %dma_wait3A = arith.constant 0 : i32
    %dma_wait3A_46 = tpu.memref_slice %arg3[%mul3A_45, %dma_wait3A] : memref<1024x98304xf32, #tpu.memory_space<hbm>> -> memref<32x1024xf32, #tpu.memory_space<hbm>>
    %dma_wait3A_47 = arith.constant 0 : i32
    %dma_wait3A_48 = tpu.memref_slice %arg3[%mul3A_45, %dma_wait3A_47] : memref<1024x98304xf32, #tpu.memory_space<hbm>> -> memref<32x1024xf32, #tpu.memory_space<hbm>>
    tpu.wait_dma2 semaphore(%arg10 : memref<!tpu.dma_semaphore, #tpu.memory_space<semaphore_mem>>) src(%arg6 : memref<32x1024xf32, #tpu.memory_space<vmem>>) dst(%dma_wait3A_48 : memref<32x1024xf32, #tpu.memory_space<hbm>>)
    %mul3A_49 = arith.constant 32 : i32
    %mul3A_50 = arith.muli %add3A, %mul3A_49 : i32
    %dma_wait3A_51 = arith.constant 1024 : i32
    %dma_wait3A_52 = tpu.memref_slice %arg3[%mul3A_50, %dma_wait3A_51] : memref<1024x98304xf32, #tpu.memory_space<hbm>> -> memref<32x1024xf32, #tpu.memory_space<hbm>>
    %dma_wait3A_53 = arith.constant 1024 : i32
    %dma_wait3A_54 = tpu.memref_slice %arg3[%mul3A_50, %dma_wait3A_53] : memref<1024x98304xf32, #tpu.memory_space<hbm>> -> memref<32x1024xf32, #tpu.memory_space<hbm>>
    tpu.wait_dma2 semaphore(%arg11 : memref<!tpu.dma_semaphore, #tpu.memory_space<semaphore_mem>>) src(%arg7 : memref<32x1024xf32, #tpu.memory_space<vmem>>) dst(%dma_wait3A_54 : memref<32x1024xf32, #tpu.memory_space<hbm>>)
    return
  }
}

</mosaic_0001>

<sc_bundles>
// kernel: kernel.3.cloned.1.call-start
scs
__scs_entry_jumppad:
0x0: {  	(pc) =	sbr.rel $0x88, $3  }
0x1: {  	(tag) =	ssettag $0x0;
	lr =	simm.s32 $0x1  }
0x2: {  	[smem:$0x3FA0] =	sst lr;
	_ =	strace $0xD0000000  }
0x3: {  	_ = 	snop  }
0x4: {  	_ = 	snop  }
0x5: {  	_ = 	snop  }
0x6: {  	_ = 	snop  }
0x7: {  	_ = 	snop  }
__scs_overlays_trampoline_lowered:
0x8: {  	[smem:$0x3FAF] =	sst s0  }
0x9: {  	[smem:$0x3FB0] =	sst s1  }
0xa: {  	[smem:$0x3FB1] =	sst s2  }
0xb: {  	[smem:$0x3FB2] =	sst s3  }
0xc: {  	[smem:$0x3FB3] =	sst s4  }
0xd: {  	[smem:$0x3FB4] =	sst s5  }
0xe: {  	[smem:$0x3FB5] =	sst s6  }
0xf: {  	[smem:$0x3FB6] =	sst s7  }
0x10: {  	[smem:$0x3FB7] =	sst s8  }
0x11: {  	[smem:$0x3FB8] =	sst s9;
	s0 =	simm.s32 @!p0 $0x0  }
0x12: {  	s1 =	sld [smem:$0x3F9E];
	s0 =	simm.s32 @p0 $0x1  }
0x13: {  	[smem:$0x3FB9] =	sst s0;
	s0 =	simm.s32 @!p1 $0x0  }
0x14: {  	s2 =	sld [smem:$0x3F9D];
	s0 =	simm.s32 @p1 $0x1  }
0x15: {  	[smem:$0x3FBA] =	sst s0;
	s0 =	simm.s32 @!p2 $0x0  }
0x16: {  	s3 =	sld [smem:$0x3FDB];
	s0 =	simm.s32 @p2 $0x1  }
0x17: {  	s4 =	simm.s32 $0x1BF5;
	[smem:$0x3FBC] =	sst s0  }
0x18: {  	s0 =	sld [smem:$0x3F9F];
	_ =	swait.ge [sflag:s4], $0x0  }
0x19: {  	s7 =	sld [smem:$0x3FA0]  }
0x1a: {  	s8 =	sadd.s32 $0xFFFFE003, lr  }
0x1b: {  	s9 =	sadd.s32 $0xFFFFFEF7, lr;
	s5 =	simm.s32 $0xFFFFFFFF;
	p2 =	slt.u32 s8, $0xFFFFF086  }
0x1c: {  	p1 =	slt.u32 s9, $0xF7A;
	s5 =	simm.s32 @!p2 $0x0  }
0x1d: {  	s5 =	simm.s32 @p1 $0x1;
	p0 =	seq.s32 s7, s2  }
0x1e: {  	s7 =	smul.u32 @!p0 $0xF7A, s2;
	p2 =	seq.s32 @!p0 s5, $0x0  }
0x1f: {  	s9 =	smul.u32 $0xF7A, s1;
	s8 =	simm.s32 @!p0 $0x1BF5;
	p2 =	por !p2, p0  }
0x20: {  	[sflag:s8] =	ssyncset.s32 @!p0 $0xFFFFF086;
	s6 =	sadd.s32 @!p0 s3, s7;
	s7 =	simm.s32 @!p0 $0x108  }
0x21: {  	s3 =	sadd.s32 s3, s9;
	s6 =	sadd.s32 @!p0 $0x88, s6;
	s7 =	simm.s32 @p2 $0x1082  }
0x22: {  	[simem:s7], [sflag:s8] =	dma.local @!p0 [hbm:s6], $0xF7A  }
0x23: {  	s9 =	sor.u32 $0xD0000000, s2;
	s6 =	simm.s32 $0x108;
	_ =	swait.ge @!p0 [sflag:s8], $0x0  }
0x24: {  	s3 =	sadd.s32 $0x88, s3;
	s6 =	simm.s32 @!p1 $0x1082;
	[sflag:s4] =	ssyncset.s32 $0xFFFFF086  }
0x25: {  	[simem:s6], [sflag:s4] =	dma.local [hbm:s3], $0xF7A  }
0x26: {  	[smem:$0x3FA0] =	sst s1;
	(tag) =	ssettag s2;
	_ =	strace s9  }
0x27: {  	s1 =	sld [smem:$0x3FB0]  }
0x28: {  	s2 =	sld [smem:$0x3FB1]  }
0x29: {  	s4 =	sld [smem:$0x3FB3]  }
0x2a: {  	p0 =	seq.s32 s5, $0x0;
	s5 =	sld [smem:$0x3FB4]  }
0x2b: {  	s6 =	sld [smem:$0x3FB5]  }
0x2c: {  	s7 =	sld [smem:$0x3FB6]  }
0x2d: {  	s3 =	simm.s32 $0x108;
	s8 =	sld [smem:$0x3FB7]  }
0x2e: {  	s3 =	simm.s32 @!p0 $0x1082;
	s9 =	sld [smem:$0x3FB8]  }
0x2f: {  	lr =	sadd.s32 s0, s3;
	s0 =	sld [smem:$0x3FAF]  }
0x30: {  	s3 =	sld [smem:$0x3FB2]  }
0x31: {  	[smem:$0x3FBB] =	sst s10  }
0x32: {  	s10 =	sld [smem:$0x3FB9];
	_ =	sdelay $0x3  }
0x33: {  	p0 =	seq.s32 s10, $0x1;
	s10 =	sld [smem:$0x3FBB];
	_ =	sdelay $0x3  }
0x34: {  	[smem:$0x3FBB] =	sst s10  }
0x35: {  	s10 =	sld [smem:$0x3FBA];
	_ =	sdelay $0x3  }
0x36: {  	p1 =	seq.s32 s10, $0x1;
	s10 =	sld [smem:$0x3FBB];
	_ =	sdelay $0x3  }
0x37: {  	[smem:$0x3FBB] =	sst s10  }
0x38: {  	s10 =	sld [smem:$0x3FBC]  }
0x39: {  	_ = 	snop;
	(pc) =	sbr.ind lr, $3  }
0x3a: {  	_ = 	snop  }
0x3b: {  	_ = 	snop  }
0x3c: {  	p2 =	seq.s32 s10, $0x1;
	s10 =	sld [smem:$0x3FBB]  }
0x3d: {  	_ =	shalt  }
0x3e: {  	_ =	shalt  }
0x3f: {  	_ =	shalt  }
0x40: {  	_ =	shalt  }
0x41: {  	_ =	shalt  }
0x42: {  	_ =	shalt  }
0x43: {  	_ =	shalt  }
0x44: {  	_ =	shalt  }
0x45: {  	_ =	shalt  }
0x46: {  	_ =	shalt  }
0x47: {  	_ =	shalt  }
0x48: {  	_ =	shalt  }
0x49: {  	_ =	shalt  }
0x4a: {  	_ =	shalt  }
0x4b: {  	_ =	shalt  }
0x4c: {  	_ =	shalt  }
0x4d: {  	_ =	shalt  }
0x4e: {  	_ =	shalt  }
0x4f: {  	_ =	shalt  }
0x50: {  	_ =	shalt  }
0x51: {  	_ =	shalt  }
0x52: {  	_ =	shalt  }
0x53: {  	_ =	shalt  }
0x54: {  	_ =	shalt  }
0x55: {  	_ =	shalt  }
0x56: {  	_ =	shalt  }
0x57: {  	_ =	shalt  }
0x58: {  	_ =	shalt  }
0x59: {  	_ =	shalt  }
0x5a: {  	_ =	shalt  }
0x5b: {  	_ =	shalt  }
0x5c: {  	_ =	shalt  }
0x5d: {  	_ =	shalt  }
0x5e: {  	_ =	shalt  }
0x5f: {  	_ =	shalt  }
0x60: {  	_ =	shalt  }
0x61: {  	_ =	shalt  }
0x62: {  	_ =	shalt  }
0x63: {  	_ =	shalt  }
0x64: {  	_ =	shalt  }
0x65: {  	_ =	shalt  }
0x66: {  	_ =	shalt  }
0x67: {  	_ =	shalt  }
0x68: {  	_ =	shalt  }
0x69: {  	_ =	shalt  }
0x6a: {  	_ =	shalt  }
0x6b: {  	_ =	shalt  }
0x6c: {  	_ =	shalt  }
0x6d: {  	_ =	shalt  }
0x6e: {  	_ =	shalt  }
0x6f: {  	_ =	shalt  }
0x70: {  	_ =	shalt  }
0x71: {  	_ =	shalt  }
0x72: {  	_ =	shalt  }
0x73: {  	_ =	shalt  }
0x74: {  	_ =	shalt  }
0x75: {  	_ =	shalt  }
0x76: {  	_ =	shalt  }
0x77: {  	_ =	shalt  }
0x78: {  	_ =	shalt  }
0x79: {  	_ =	shalt  }
0x7a: {  	_ =	shalt  }
0x7b: {  	_ =	shalt  }
0x7c: {  	_ =	shalt  }
0x7d: {  	_ =	shalt  }
0x7e: {  	_ =	shalt  }
0x7f: {  	_ =	shalt  }
0x80: {  	_ =	shalt  }
0x81: {  	_ =	shalt  }
0x82: {  	_ =	shalt  }
0x83: {  	_ =	shalt  }
0x84: {  	_ =	shalt  }
0x85: {  	_ =	shalt  }
0x86: {  	_ =	shalt  }
0x87: {  	_ =	shalt  }
.Lfunc_end0:
.L_simem_size_0:
called_computation_lowered:
.L_overlay_start_0:
0x88: {  	s2 =	sld [smem:$0x3FD9]  }
0x89: {  	s3 =	sld [smem:$0x3FFE];
	_ =	sdelay $0x1  }
0x8a: {  	s1 =	srdreg.scid  }
0x8b: {  	s0 =	sand.u32 $0x1, s1  }
0x8c: {  	s17 =	sshll.u32 s0, $0xA;
	s2 =	sadd.s32 s3, s2  }
0x8d: {  	s2 =	sadd.s32 s2, s17  }
0x8e: {  	[smem:$0x3FC7] =	sst s2  }
0x8f: {  	_ = 	snop  }
0x90: {  	s2 =	sld [smem:$0x3FD0];
	(tm) =	ssettm $0x1  }
0x91: {  	s18 =	sld [smem:$0x3FFB];
	_ =	sdelay $0x3  }
0x92: {  	_ =	strace s18  }
0x93: {  	s3 =	sld [smem:$0x3FFC];
	_ =	sdelay $0x3  }
0x94: {  	_ =	strace s3  }
0x95: {  	s3 =	sld [smem:$0x3FFD];
	_ =	sdelay $0x3  }
0x96: {  	_ =	strace s3  }
0x97: {  	_ =	strace $0x8FFFFFFF  }
0x98: {  	s19 =	sld [smem:$0x3FDB];
	_ =	sdelay $0x1  }
0x99: {  	s4 =	simm.s32 $_scs_section_size  }
0x9a: {  	s5 =	simm.s32 $_size__tile_overlayer_lowered;
	s6 =	simm.s32 $_tile_overlayer_lowered  }
0x9b: {  	s22 =	simm.s32 $0x1BFF;
	s21 =	sshll.u32 s6, $0x1;
	s3 =	sadd.s32 s4, s19  }
0x9c: {  	s7 =	simm.s32 $0x0;
	s20 =	sshll.u32 s5, $0x1;
	s5 =	sadd.s32 s21, s3  }
0x9d: {  	[timem:s7], [sflag:s22] =	dma.local [hbm:s5], s20  }
0x9e: {  	_ =	swait.ge [sflag:s22], s20  }
0x9f: {  	s4 =	ssub.s32 $0x0, s20;
	[sflag:s22] =	ssyncset.done $0x0  }
0xa0: {  	[sflag:s22] =	ssyncadd.s32 s4;
	_ =	sdelay $0x1  }
0xa1: {  	s23 =	simm.s32 $0x1B8B  }
0xa2: {  	_ =	swait.ge [sflag:s23], $0x1  }
0xa3: {  	[sflag:s23] =	ssyncset.done $0x0  }
0xa4: {  	s25 =	simm.s32 $0x1B8E;
	s24 =	sld [smem:$0x3FFE];
	[sflag:s23] =	ssyncadd.s32 $0xFFFFFFFF  }
0xa5: {  	s26 =	simm.s32 $execute0_lowered;
	[smem:$0x3FD2] =	sst s25  }
0xa6: {  	s5 =	sshll.u32 s26, $0x1;
	_ =	strace $0x80000046;
	[dreg:$0x1] =	wrdreg $0xFFFFFFFF  }
0xa7: {  	s28 =	simm.s32 $_size_execute0_lowered;
	s3 =	sadd.s32 s3, s5;
	[dreg:$0x0] =	wrdreg $0x0  }
0xa8: {  	s5 =	sshll.u32 s28, $0x1;
	[dreg:$0x2] =	wrdreg s3  }
0xa9: {  	[dreg:$0x3] =	wrdreg s5  }
0xaa: {  	[dreg:$0x4] =	wrdreg $0xC0  }
0xab: {  	_ =	task [dreg:s7], $0x5FFFF  }
0xac: {  	[dreg:$0x1] =	wrdreg $0xFFFFFFFF  }
0xad: {  	[dreg:$0x0] =	wrdreg $0x60  }
0xae: {  	[dreg:$0x2] =	wrdreg s2  }
0xaf: {  	[dreg:$0x3] =	wrdreg s24  }
0xb0: {  	[dreg:$0x4] =	wrdreg $0x9  }
0xb1: {  	_ =	task.clear_ibuf [dreg:s7], $0x5FFFF;
	_ =	strace $0x90000046  }
0xb2: {  	s29 =	simm.s32 $0x9;
	_ =	strace $0x80000048  }
0xb3: {  	_ =	swait.ge [sflag:s29], $0x1  }
0xb4: {  	[sflag:s29] =	ssyncadd.s32 $0xFFFFFFFF  }
0xb5: {  	_ =	strace $0x90000048  }
0xb6: {  	_ =	sfence  }
0xb7: {  	s30 =	sld [smem:$0x0];
	_ =	sdelay $0x2  }
0xb8: {  	s31 =	sshll.u32 s1, $0xD;
	s1 =	sshrl.u32 s1, $0x2  }
0xb9: {  	s3 =	sand.u32 $0x4000, s31;
	s1 =	sadd.s32 s1, s30  }
0xba: {  	s0 =	sor.u32 s3, s0;
	s1 =	sshll.u32 s1, $0x11  }
0xbb: {  	s0 =	sor.u32 s1, s0  }
0xbc: {  	s0 =	sadd.s32 $0x8F2B, s0  }
0xbd: {  	[sflag:s0] =	ssyncadd.remote.s32 $0x1  }
0xbe: {  	_ =	sfence.sel $0xFFFF  }
0xbf: {  	[dreg:$0x0] =	wrdreg $0xFFFFFFFF;
	(pc) =	sbr.abs _section_cstart, $3  }
0xc0: {  	[dreg:$0x1] =	wrdreg $0xFFFFFFFF  }
0xc1: {  	_ =	task.clear_ibuf [dreg:s7], $0x2FFFF;
	_ =	strace $0x9FFFFFFF  }
0xc2: {  	(tm) =	ssettm $0x7FFFFFFF  }
0xc3: {  	_ =	shalt  }
tec
execute0_lowered:
.L_overlay_start_1:
0x0: {  	(tag) =	ssettag $0x1  }
0x1: {  	s2 =	rddreg [dreg:$0x0];
	s1 =	srdreg.scid  }
0x2: {  	s0 =	stileid.u32;
	s6 =	rddreg [dreg:$0x1]  }
0x3: {  	s3 =	simm.s32 $0x0;
	s12 =	simm.s32 $0x3;
	s13 =	simm.s32 $0x800  }
0x4: {  	s14 =	simm.s32 $0x400;
	s7 =	sand.u32 $0x1, s1;
	s4 =	sshll.u32 s0, $0x1  }
0x5: {  	s15 =	simm.s32 $0x18000;
	s16 =	simm.s32 $0x8800;
	s5 =	sor.u32 s7, s4  }
0x6: {  	s17 =	simm.s32 $0x1;
	s1 =	rddreg [dreg:$0x2];
	s4 =	smul.u32 $0x18000, s5  }
0x7: {  	s18 =	simm.s32 $0x2;
	[smem:$0x7FF] =	sst s3;
	s5 =	smul.u32 $0x300000, s5  }
0x8: {  	s6 =	sadd.s32 $0x400, s6;
	_ =	strace $0x80000047;
	s8 =	ssub.s32 $0x2, s7  }
0x9: {  	v0 =	vlaneseq.u32;
	s9 =	sshrl.u32 s8, $0x1;
	s31 =	sshrl.u32 s4, $0x3;
	s10 =	sshrl.u32 s5, $0x3  }
0xa: {  	v1 =	vimm.f32 $0.0e+00;
	v3 =	vshrl.u32 v0, $0x3;
	s11 =	ssub.s32 s8, s9;
	s7 =	sadd.s32 s2, s31;
	s8 =	sadd.s32 s6, s10  }
0xb: {  	v2 =	vimm.f32 $1.000000000e+00;
	v4 =	vand.u32 $0x7, v0;
	v3 =	vmul.u32 $0x8, v3;
	s11 =	smax.u32 s11, $0x1;
	s9 =	sadd.s32 $0x80, s7;
	s10 =	sadd.s32 $0x80, s8  }
.LBB2_1:
0xc: {  	s19 =	simm.s32 $0x0;
	s20 =	simm.s32 $0x1000  }
.LBB2_2:
0xd: {  	p0 =	sne.s32 s20, $0x1F000;
	[tilespmem:s19+$0xBF0] =	vst v1  }
0xe: {  	[tilespmem:s19+$0x800] =	vst v1  }
0xf: {  	[tilespmem:s19+$0x810] =	vst v1  }
0x10: {  	[tilespmem:s19+$0x820] =	vst v1  }
0x11: {  	[tilespmem:s19+$0x830] =	vst v1  }
0x12: {  	[tilespmem:s19+$0x840] =	vst v1  }
0x13: {  	[tilespmem:s19+$0x850] =	vst v1  }
0x14: {  	[tilespmem:s19+$0x860] =	vst v1  }
0x15: {  	[tilespmem:s19+$0x870] =	vst v1  }
0x16: {  	[tilespmem:s19+$0x880] =	vst v1  }
0x17: {  	[tilespmem:s19+$0x890] =	vst v1  }
0x18: {  	[tilespmem:s19+$0x8A0] =	vst v1  }
0x19: {  	[tilespmem:s19+$0x8B0] =	vst v1  }
0x1a: {  	[tilespmem:s19+$0x8C0] =	vst v1  }
0x1b: {  	[tilespmem:s19+$0x8D0] =	vst v1  }
0x1c: {  	[tilespmem:s19+$0x8E0] =	vst v1  }
0x1d: {  	[tilespmem:s19+$0x8F0] =	vst v1  }
0x1e: {  	[tilespmem:s19+$0x900] =	vst v1  }
0x1f: {  	[tilespmem:s19+$0x910] =	vst v1  }
0x20: {  	[tilespmem:s19+$0x920] =	vst v1  }
0x21: {  	[tilespmem:s19+$0x930] =	vst v1  }
0x22: {  	[tilespmem:s19+$0x940] =	vst v1  }
0x23: {  	[tilespmem:s19+$0x950] =	vst v1  }
0x24: {  	[tilespmem:s19+$0x960] =	vst v1  }
0x25: {  	[tilespmem:s19+$0x970] =	vst v1  }
0x26: {  	[tilespmem:s19+$0x980] =	vst v1  }
0x27: {  	[tilespmem:s19+$0x990] =	vst v1  }
0x28: {  	[tilespmem:s19+$0x9A0] =	vst v1  }
0x29: {  	[tilespmem:s19+$0x9B0] =	vst v1  }
0x2a: {  	[tilespmem:s19+$0x9C0] =	vst v1  }
0x2b: {  	[tilespmem:s19+$0x9D0] =	vst v1  }
0x2c: {  	[tilespmem:s19+$0x9E0] =	vst v1  }
0x2d: {  	[tilespmem:s19+$0x9F0] =	vst v1  }
0x2e: {  	[tilespmem:s19+$0xA00] =	vst v1  }
0x2f: {  	[tilespmem:s19+$0xA10] =	vst v1  }
0x30: {  	[tilespmem:s19+$0xA20] =	vst v1  }
0x31: {  	[tilespmem:s19+$0xA30] =	vst v1  }
0x32: {  	[tilespmem:s19+$0xA40] =	vst v1  }
0x33: {  	[tilespmem:s19+$0xA50] =	vst v1  }
0x34: {  	[tilespmem:s19+$0xA60] =	vst v1  }
0x35: {  	[tilespmem:s19+$0xA70] =	vst v1  }
0x36: {  	[tilespmem:s19+$0xA80] =	vst v1  }
0x37: {  	[tilespmem:s19+$0xA90] =	vst v1  }
0x38: {  	[tilespmem:s19+$0xAA0] =	vst v1  }
0x39: {  	[tilespmem:s19+$0xAB0] =	vst v1  }
0x3a: {  	[tilespmem:s19+$0xAC0] =	vst v1  }
0x3b: {  	[tilespmem:s19+$0xAD0] =	vst v1  }
0x3c: {  	[tilespmem:s19+$0xAE0] =	vst v1  }
0x3d: {  	[tilespmem:s19+$0xAF0] =	vst v1  }
0x3e: {  	[tilespmem:s19+$0xB00] =	vst v1  }
0x3f: {  	[tilespmem:s19+$0xB10] =	vst v1  }
0x40: {  	[tilespmem:s19+$0xB20] =	vst v1  }
0x41: {  	[tilespmem:s19+$0xB30] =	vst v1  }
0x42: {  	[tilespmem:s19+$0xB40] =	vst v1  }
0x43: {  	[tilespmem:s19+$0xB50] =	vst v1  }
0x44: {  	[tilespmem:s19+$0xB60] =	vst v1  }
0x45: {  	[tilespmem:s19+$0xB70] =	vst v1  }
0x46: {  	[tilespmem:s19+$0xB80] =	vst v1  }
0x47: {  	[tilespmem:s19+$0xB90] =	vst v1  }
.Ltmp0:
0x48: {  	[tilespmem:s19+$0xBA0] =	vst v1;
	(pc) =	sbr.rel @p0 .LBB2_2-.Ltmp0, $4  }
0x49: {  	[tilespmem:s19+$0xBB0] =	vst v1  }
0x4a: {  	[tilespmem:s19+$0xBC0] =	vst v1  }
0x4b: {  	[tilespmem:s19+$0xBD0] =	vst v1  }
0x4c: {  	[tilespmem:s19+$0xBE0] =	vst v1;
	s19 =	sshra.s32 s20, $0x2;
	s20 =	sadd.s32 $0x1000, s20  }
0x4d: {  	[tilespmem:s19+$0xBF0] =	vst v1  }
0x4e: {  	[tilespmem:s19+$0x800] =	vst v1  }
0x4f: {  	[tilespmem:s19+$0x810] =	vst v1  }
0x50: {  	[tilespmem:s19+$0x820] =	vst v1  }
0x51: {  	[tilespmem:s19+$0x830] =	vst v1  }
0x52: {  	[tilespmem:s19+$0x840] =	vst v1  }
0x53: {  	[tilespmem:s19+$0x850] =	vst v1  }
0x54: {  	[tilespmem:s19+$0x860] =	vst v1  }
0x55: {  	[tilespmem:s19+$0x870] =	vst v1  }
0x56: {  	[tilespmem:s19+$0x880] =	vst v1  }
0x57: {  	[tilespmem:s19+$0x890] =	vst v1  }
0x58: {  	[tilespmem:s19+$0x8A0] =	vst v1  }
0x59: {  	[tilespmem:s19+$0x8B0] =	vst v1  }
0x5a: {  	[tilespmem:s19+$0x8C0] =	vst v1  }
0x5b: {  	[tilespmem:s19+$0x8D0] =	vst v1  }
0x5c: {  	[tilespmem:s19+$0x8E0] =	vst v1  }
0x5d: {  	[tilespmem:s19+$0x8F0] =	vst v1  }
0x5e: {  	[tilespmem:s19+$0x900] =	vst v1  }
0x5f: {  	[tilespmem:s19+$0x910] =	vst v1  }
0x60: {  	[tilespmem:s19+$0x920] =	vst v1  }
0x61: {  	[tilespmem:s19+$0x930] =	vst v1  }
0x62: {  	[tilespmem:s19+$0x940] =	vst v1  }
0x63: {  	[tilespmem:s19+$0x950] =	vst v1  }
0x64: {  	[tilespmem:s19+$0x960] =	vst v1  }
0x65: {  	[tilespmem:s19+$0x970] =	vst v1  }
0x66: {  	[tilespmem:s19+$0x980] =	vst v1  }
0x67: {  	[tilespmem:s19+$0x990] =	vst v1  }
0x68: {  	[tilespmem:s19+$0x9A0] =	vst v1  }
0x69: {  	[tilespmem:s19+$0x9B0] =	vst v1  }
0x6a: {  	[tilespmem:s19+$0x9C0] =	vst v1  }
0x6b: {  	[tilespmem:s19+$0x9D0] =	vst v1  }
0x6c: {  	[tilespmem:s19+$0x9E0] =	vst v1  }
0x6d: {  	[tilespmem:s19+$0x9F0] =	vst v1  }
0x6e: {  	[tilespmem:s19+$0xA00] =	vst v1  }
0x6f: {  	[tilespmem:s19+$0xA10] =	vst v1  }
0x70: {  	[tilespmem:s19+$0xA20] =	vst v1  }
0x71: {  	[tilespmem:s19+$0xA30] =	vst v1  }
0x72: {  	[tilespmem:s19+$0xA40] =	vst v1  }
0x73: {  	[tilespmem:s19+$0xA50] =	vst v1  }
0x74: {  	[tilespmem:s19+$0xA60] =	vst v1  }
0x75: {  	[tilespmem:s19+$0xA70] =	vst v1  }
0x76: {  	[tilespmem:s19+$0xA80] =	vst v1  }
0x77: {  	[tilespmem:s19+$0xA90] =	vst v1  }
0x78: {  	[tilespmem:s19+$0xAA0] =	vst v1  }
0x79: {  	[tilespmem:s19+$0xAB0] =	vst v1  }
0x7a: {  	[tilespmem:s19+$0xAC0] =	vst v1  }
0x7b: {  	[tilespmem:s19+$0xAD0] =	vst v1  }
0x7c: {  	[tilespmem:s19+$0xAE0] =	vst v1  }
0x7d: {  	[tilespmem:s19+$0xAF0] =	vst v1  }
0x7e: {  	[tilespmem:s19+$0xB00] =	vst v1  }
0x7f: {  	[tilespmem:s19+$0xB10] =	vst v1  }
0x80: {  	[tilespmem:s19+$0xB20] =	vst v1  }
0x81: {  	[tilespmem:s19+$0xB30] =	vst v1  }
0x82: {  	[tilespmem:s19+$0xB40] =	vst v1  }
0x83: {  	[tilespmem:s19+$0xB50] =	vst v1  }
0x84: {  	[tilespmem:s19+$0xB60] =	vst v1  }
0x85: {  	[tilespmem:s19+$0xB70] =	vst v1  }
0x86: {  	[tilespmem:s19+$0xB80] =	vst v1  }
0x87: {  	[tilespmem:s19+$0xB90] =	vst v1  }
0x88: {  	[tilespmem:s19+$0xBA0] =	vst v1  }
0x89: {  	[tilespmem:s19+$0xBB0] =	vst v1  }
0x8a: {  	[tilespmem:s19+$0xBC0] =	vst v1  }
0x8b: {  	[tilespmem:s19+$0xBD0] =	vst v1  }
0x8c: {  	[tilespmem:s19+$0xBE0] =	vst v1;
	s19 =	simm.s32 $0x0;
	s20 =	simm.s32 $0x1000  }
.LBB2_4:
0x8d: {  	p0 =	sne.s32 s20, $0x1F000;
	[tilespmem:s19+$0x8BF0] =	vst v1  }
0x8e: {  	[tilespmem:s19+$0x8800] =	vst v1  }
0x8f: {  	[tilespmem:s19+$0x8810] =	vst v1  }
0x90: {  	[tilespmem:s19+$0x8820] =	vst v1  }
0x91: {  	[tilespmem:s19+$0x8830] =	vst v1  }
0x92: {  	[tilespmem:s19+$0x8840] =	vst v1  }
0x93: {  	[tilespmem:s19+$0x8850] =	vst v1  }
0x94: {  	[tilespmem:s19+$0x8860] =	vst v1  }
0x95: {  	[tilespmem:s19+$0x8870] =	vst v1  }
0x96: {  	[tilespmem:s19+$0x8880] =	vst v1  }
0x97: {  	[tilespmem:s19+$0x8890] =	vst v1  }
0x98: {  	[tilespmem:s19+$0x88A0] =	vst v1  }
0x99: {  	[tilespmem:s19+$0x88B0] =	vst v1  }
0x9a: {  	[tilespmem:s19+$0x88C0] =	vst v1  }
0x9b: {  	[tilespmem:s19+$0x88D0] =	vst v1  }
0x9c: {  	[tilespmem:s19+$0x88E0] =	vst v1  }
0x9d: {  	[tilespmem:s19+$0x88F0] =	vst v1  }
0x9e: {  	[tilespmem:s19+$0x8900] =	vst v1  }
0x9f: {  	[tilespmem:s19+$0x8910] =	vst v1  }
0xa0: {  	[tilespmem:s19+$0x8920] =	vst v1  }
0xa1: {  	[tilespmem:s19+$0x8930] =	vst v1  }
0xa2: {  	[tilespmem:s19+$0x8940] =	vst v1  }
0xa3: {  	[tilespmem:s19+$0x8950] =	vst v1  }
0xa4: {  	[tilespmem:s19+$0x8960] =	vst v1  }
0xa5: {  	[tilespmem:s19+$0x8970] =	vst v1  }
0xa6: {  	[tilespmem:s19+$0x8980] =	vst v1  }
0xa7: {  	[tilespmem:s19+$0x8990] =	vst v1  }
0xa8: {  	[tilespmem:s19+$0x89A0] =	vst v1  }
0xa9: {  	[tilespmem:s19+$0x89B0] =	vst v1  }
0xaa: {  	[tilespmem:s19+$0x89C0] =	vst v1  }
0xab: {  	[tilespmem:s19+$0x89D0] =	vst v1  }
0xac: {  	[tilespmem:s19+$0x89E0] =	vst v1  }
0xad: {  	[tilespmem:s19+$0x89F0] =	vst v1  }
0xae: {  	[tilespmem:s19+$0x8A00] =	vst v1  }
0xaf: {  	[tilespmem:s19+$0x8A10] =	vst v1  }
0xb0: {  	[tilespmem:s19+$0x8A20] =	vst v1  }
0xb1: {  	[tilespmem:s19+$0x8A30] =	vst v1  }
0xb2: {  	[tilespmem:s19+$0x8A40] =	vst v1  }
0xb3: {  	[tilespmem:s19+$0x8A50] =	vst v1  }
0xb4: {  	[tilespmem:s19+$0x8A60] =	vst v1  }
0xb5: {  	[tilespmem:s19+$0x8A70] =	vst v1  }
0xb6: {  	[tilespmem:s19+$0x8A80] =	vst v1  }
0xb7: {  	[tilespmem:s19+$0x8A90] =	vst v1  }
0xb8: {  	[tilespmem:s19+$0x8AA0] =	vst v1  }
0xb9: {  	[tilespmem:s19+$0x8AB0] =	vst v1  }
0xba: {  	[tilespmem:s19+$0x8AC0] =	vst v1  }
0xbb: {  	[tilespmem:s19+$0x8AD0] =	vst v1  }
0xbc: {  	[tilespmem:s19+$0x8AE0] =	vst v1  }
0xbd: {  	[tilespmem:s19+$0x8AF0] =	vst v1  }
0xbe: {  	[tilespmem:s19+$0x8B00] =	vst v1  }
0xbf: {  	[tilespmem:s19+$0x8B10] =	vst v1  }
0xc0: {  	[tilespmem:s19+$0x8B20] =	vst v1  }
0xc1: {  	[tilespmem:s19+$0x8B30] =	vst v1  }
0xc2: {  	[tilespmem:s19+$0x8B40] =	vst v1  }
0xc3: {  	[tilespmem:s19+$0x8B50] =	vst v1  }
0xc4: {  	[tilespmem:s19+$0x8B60] =	vst v1  }
0xc5: {  	[tilespmem:s19+$0x8B70] =	vst v1  }
0xc6: {  	[tilespmem:s19+$0x8B80] =	vst v1  }
0xc7: {  	[tilespmem:s19+$0x8B90] =	vst v1  }
.Ltmp1:
0xc8: {  	[tilespmem:s19+$0x8BA0] =	vst v1;
	(pc) =	sbr.rel @p0 .LBB2_4-.Ltmp1, $4  }
0xc9: {  	[tilespmem:s19+$0x8BB0] =	vst v1  }
0xca: {  	[tilespmem:s19+$0x8BC0] =	vst v1  }
0xcb: {  	[tilespmem:s19+$0x8BD0] =	vst v1  }
0xcc: {  	[tilespmem:s19+$0x8BE0] =	vst v1;
	s19 =	sshra.s32 s20, $0x2;
	s20 =	sadd.s32 $0x1000, s20  }
0xcd: {  	[tilespmem:s19+$0x8BF0] =	vst v1  }
0xce: {  	[tilespmem:s19+$0x8800] =	vst v1  }
0xcf: {  	[tilespmem:s19+$0x8810] =	vst v1  }
0xd0: {  	[tilespmem:s19+$0x8820] =	vst v1  }
0xd1: {  	[tilespmem:s19+$0x8830] =	vst v1  }
0xd2: {  	[tilespmem:s19+$0x8840] =	vst v1  }
0xd3: {  	[tilespmem:s19+$0x8850] =	vst v1  }
0xd4: {  	[tilespmem:s19+$0x8860] =	vst v1  }
0xd5: {  	[tilespmem:s19+$0x8870] =	vst v1  }
0xd6: {  	[tilespmem:s19+$0x8880] =	vst v1  }
0xd7: {  	[tilespmem:s19+$0x8890] =	vst v1  }
0xd8: {  	[tilespmem:s19+$0x88A0] =	vst v1  }
0xd9: {  	[tilespmem:s19+$0x88B0] =	vst v1  }
0xda: {  	[tilespmem:s19+$0x88C0] =	vst v1  }
0xdb: {  	[tilespmem:s19+$0x88D0] =	vst v1  }
0xdc: {  	[tilespmem:s19+$0x88E0] =	vst v1  }
0xdd: {  	[tilespmem:s19+$0x88F0] =	vst v1  }
0xde: {  	[tilespmem:s19+$0x8900] =	vst v1  }
0xdf: {  	[tilespmem:s19+$0x8910] =	vst v1  }
0xe0: {  	[tilespmem:s19+$0x8920] =	vst v1  }
0xe1: {  	[tilespmem:s19+$0x8930] =	vst v1  }
0xe2: {  	[tilespmem:s19+$0x8940] =	vst v1  }
0xe3: {  	[tilespmem:s19+$0x8950] =	vst v1  }
0xe4: {  	[tilespmem:s19+$0x8960] =	vst v1  }
0xe5: {  	[tilespmem:s19+$0x8970] =	vst v1  }
0xe6: {  	[tilespmem:s19+$0x8980] =	vst v1  }
0xe7: {  	[tilespmem:s19+$0x8990] =	vst v1  }
0xe8: {  	[tilespmem:s19+$0x89A0] =	vst v1  }
0xe9: {  	[tilespmem:s19+$0x89B0] =	vst v1  }
0xea: {  	[tilespmem:s19+$0x89C0] =	vst v1  }
0xeb: {  	[tilespmem:s19+$0x89D0] =	vst v1  }
0xec: {  	[tilespmem:s19+$0x89E0] =	vst v1  }
0xed: {  	[tilespmem:s19+$0x89F0] =	vst v1  }
0xee: {  	[tilespmem:s19+$0x8A00] =	vst v1  }
0xef: {  	[tilespmem:s19+$0x8A10] =	vst v1  }
0xf0: {  	[tilespmem:s19+$0x8A20] =	vst v1  }
0xf1: {  	[tilespmem:s19+$0x8A30] =	vst v1  }
0xf2: {  	[tilespmem:s19+$0x8A40] =	vst v1  }
0xf3: {  	[tilespmem:s19+$0x8A50] =	vst v1  }
0xf4: {  	[tilespmem:s19+$0x8A60] =	vst v1  }
0xf5: {  	[tilespmem:s19+$0x8A70] =	vst v1  }
0xf6: {  	[tilespmem:s19+$0x8A80] =	vst v1  }
0xf7: {  	[tilespmem:s19+$0x8A90] =	vst v1  }
0xf8: {  	[tilespmem:s19+$0x8AA0] =	vst v1  }
0xf9: {  	[tilespmem:s19+$0x8AB0] =	vst v1  }
0xfa: {  	[tilespmem:s19+$0x8AC0] =	vst v1  }
0xfb: {  	[tilespmem:s19+$0x8AD0] =	vst v1  }
0xfc: {  	[tilespmem:s19+$0x8AE0] =	vst v1  }
0xfd: {  	[tilespmem:s19+$0x8AF0] =	vst v1  }
0xfe: {  	[tilespmem:s19+$0x8B00] =	vst v1  }
0xff: {  	[tilespmem:s19+$0x8B10] =	vst v1  }
0x100: {  	[tilespmem:s19+$0x8B20] =	vst v1  }
0x101: {  	[tilespmem:s19+$0x8B30] =	vst v1  }
0x102: {  	[tilespmem:s19+$0x8B40] =	vst v1  }
0x103: {  	[tilespmem:s19+$0x8B50] =	vst v1  }
0x104: {  	[tilespmem:s19+$0x8B60] =	vst v1  }
0x105: {  	[tilespmem:s19+$0x8B70] =	vst v1  }
0x106: {  	[tilespmem:s19+$0x8B80] =	vst v1  }
0x107: {  	[tilespmem:s19+$0x8B90] =	vst v1  }
0x108: {  	[tilespmem:s19+$0x8BA0] =	vst v1  }
0x109: {  	[tilespmem:s19+$0x8BB0] =	vst v1  }
0x10a: {  	[tilespmem:s19+$0x8BC0] =	vst v1  }
0x10b: {  	[tilespmem:s19+$0x8BD0] =	vst v1  }
0x10c: {  	[tilespmem:s19+$0x8BE0] =	vst v1;
	s19 =	simm.s32 $0x0  }
0x10d: {  	[tilespmem:s19], [sflag:$0x3] =	stream.linear.gather [hbm4b:s7+s19], $0x400, $0x38;
	[tilespmem:$0x11000] =	vst v63  }
0x10e: {  	_ =	swait.ge [sflag:s12], $0x400  }
0x10f: {  	[sflag:s12] =	ssyncset.done $0x0  }
0x110: {  	s20 =	simm.s32 $0x10820;
	s21 =	simm.s32 $0x20;
	[sflag:s12] =	ssyncadd.s32 $0xFFFFFC00  }
.LBB2_6:
0x111: {  	v5 =	vld [tilespmem:s21+$0xFFFFFFE0];
	_ =	sdelay $0x4  }
0x112: {  	v5 =	vsub.f32 $0.0e+00, v5;
	_ =	sdelay $0x1  }
0x113: {  	v5 =	vmul.f32 $1.442695020e+00, v5;
	_ =	sdelay $0x1  }
0x114: {  	(erf) = vpow2.f32 v5;
	_ =	sdelay $0x8  }
0x115: {  	v5 =	vpop (erf)  }
0x116: {  	v5 =	vadd.f32 $1.000000000e+00, v5;
	_ =	sdelay $0x1  }
0x117: {  	(erf) = vrcp.f32 v5;
	_ =	sdelay $0x8  }
0x118: {  	v5 =	vpop (erf)  }
0x119: {  	v5 =	vmul.f32 $1.000000000e+01, v5;
	_ =	sdelay $0x1  }
0x11a: {  	v5 =	vtrunc.f32 v5  }
0x11b: {  	v5 =	vcvt.f32.s32 v5;
	_ =	sdelay $0x1  }
0x11c: {  	v6 =	vshll.u32 v5, $0xA  }
0x11d: {  	v6 =	vadd.s32 s19, v6  }
0x11e: {  	v6 =	vadd.s32 v4, v6  }
0x11f: {  	v6 =	vadd.s32 v3, v6;
	_ =	sdelay $0x3  }
0x120: {  	[tilespmem:s20+$0xFFFFFFE0] =	vst v5  }
0x121: {  	[tilespmem:v6+s13+$0x0] =	vst.idx.msk $0xffff, v2  }
0x122: {  	v5 =	vld [tilespmem:s21+$0xFFFFFFF0];
	_ =	sdelay $0x4  }
0x123: {  	v5 =	vsub.f32 $0.0e+00, v5;
	_ =	sdelay $0x1  }
0x124: {  	v5 =	vmul.f32 $1.442695020e+00, v5;
	_ =	sdelay $0x1  }
0x125: {  	(erf) = vpow2.f32 v5;
	_ =	sdelay $0x8  }
0x126: {  	v5 =	vpop (erf)  }
0x127: {  	v5 =	vadd.f32 $1.000000000e+00, v5;
	_ =	sdelay $0x1  }
0x128: {  	(erf) = vrcp.f32 v5;
	_ =	sdelay $0x8  }
0x129: {  	v5 =	vpop (erf)  }
0x12a: {  	v5 =	vmul.f32 $1.000000000e+01, v5;
	_ =	sdelay $0x1  }
0x12b: {  	v5 =	vtrunc.f32 v5  }
0x12c: {  	v5 =	vcvt.f32.s32 v5;
	_ =	sdelay $0x1  }
0x12d: {  	s22 =	sadd.s32 $0x10, s19;
	v6 =	vshll.u32 v5, $0xA  }
0x12e: {  	v6 =	vadd.s32 s22, v6  }
0x12f: {  	v6 =	vadd.s32 v0, v6;
	_ =	sdelay $0x3  }
0x130: {  	[tilespmem:s20+$0xFFFFFFF0] =	vst v5  }
0x131: {  	[tilespmem:v6+s13+$0x0] =	vst.idx.msk $0xffff, v2  }
0x132: {  	v5 =	vld [tilespmem:s21+$0x0];
	_ =	sdelay $0x4  }
0x133: {  	v5 =	vsub.f32 $0.0e+00, v5;
	_ =	sdelay $0x1  }
0x134: {  	v5 =	vmul.f32 $1.442695020e+00, v5;
	_ =	sdelay $0x1  }
0x135: {  	(erf) = vpow2.f32 v5;
	_ =	sdelay $0x8  }
0x136: {  	v5 =	vpop (erf)  }
0x137: {  	v5 =	vadd.f32 $1.000000000e+00, v5;
	_ =	sdelay $0x1  }
0x138: {  	(erf) = vrcp.f32 v5;
	_ =	sdelay $0x8  }
0x139: {  	v5 =	vpop (erf)  }
0x13a: {  	v5 =	vmul.f32 $1.000000000e+01, v5;
	_ =	sdelay $0x1  }
0x13b: {  	v5 =	vtrunc.f32 v5  }
0x13c: {  	v5 =	vcvt.f32.s32 v5;
	_ =	sdelay $0x1  }
0x13d: {  	s30 =	sadd.s32 $0x20, s19;
	v6 =	vshll.u32 v5, $0xA  }
0x13e: {  	v6 =	vadd.s32 s30, v6  }
0x13f: {  	v6 =	vadd.s32 v0, v6;
	_ =	sdelay $0x3  }
0x140: {  	[tilespmem:s20+$0x0] =	vst v5  }
0x141: {  	[tilespmem:v6+s13+$0x0] =	vst.idx.msk $0xffff, v2  }
0x142: {  	v5 =	vld [tilespmem:s21+$0x10];
	_ =	sdelay $0x4  }
0x143: {  	v5 =	vsub.f32 $0.0e+00, v5;
	_ =	sdelay $0x1  }
0x144: {  	v5 =	vmul.f32 $1.442695020e+00, v5;
	_ =	sdelay $0x1  }
0x145: {  	(erf) = vpow2.f32 v5;
	_ =	sdelay $0x8  }
0x146: {  	v5 =	vpop (erf)  }
0x147: {  	v5 =	vadd.f32 $1.000000000e+00, v5;
	_ =	sdelay $0x1  }
0x148: {  	(erf) = vrcp.f32 v5;
	_ =	sdelay $0x8  }
0x149: {  	v5 =	vpop (erf)  }
0x14a: {  	v5 =	vmul.f32 $1.000000000e+01, v5;
	_ =	sdelay $0x1  }
0x14b: {  	v5 =	vtrunc.f32 v5  }
0x14c: {  	v5 =	vcvt.f32.s32 v5;
	_ =	sdelay $0x1  }
0x14d: {  	s31 =	sadd.s32 $0x30, s19;
	v6 =	vshll.u32 v5, $0xA  }
0x14e: {  	v6 =	vadd.s32 s31, v6  }
0x14f: {  	p0 =	sne.s32 s19, $0x3C0;
	v6 =	vadd.s32 v0, v6  }
.Ltmp2:
0x150: {  	_ = 	snop;
	(pc) =	sbr.rel @p0 .LBB2_6-.Ltmp2, $3  }
0x151: {  	_ =	sdelay $0x1  }
0x152: {  	[tilespmem:s20+$0x10] =	vst v5  }
0x153: {  	s19 =	sadd.s32 $0x40, s19;
	s21 =	sadd.s32 $0x40, s21;
	s20 =	sadd.s32 $0x40, s20;
	[tilespmem:v6+s13+$0x0] =	vst.idx.msk $0xffff, v2  }
0x154: {  	[hbm4b:s8+s14] =	stream.strided.scatter [tilespmem:s13], [sflag:$0x1], $0x8000, s15, s14, $0x38;
	[tilespmem:$0x11000] =	vst v63  }
0x155: {  	s19 =	simm.s32 $0x0  }
0x156: {  	[tilespmem:s14], [sflag:$0x3] =	stream.linear.gather [hbm4b:s9+s19], $0x400, $0x38;
	[tilespmem:$0x11000] =	vst v63  }
0x157: {  	_ =	swait.ge [sflag:s12], $0x400  }
0x158: {  	[sflag:s12] =	ssyncset.done $0x0  }
0x159: {  	s20 =	simm.s32 $0x10C20;
	s21 =	simm.s32 $0x420;
	[sflag:s12] =	ssyncadd.s32 $0xFFFFFC00  }
.LBB2_8:
0x15a: {  	v5 =	vld [tilespmem:s21+$0xFFFFFFE0];
	_ =	sdelay $0x4  }
0x15b: {  	v5 =	vsub.f32 $0.0e+00, v5;
	_ =	sdelay $0x1  }
0x15c: {  	v5 =	vmul.f32 $1.442695020e+00, v5;
	_ =	sdelay $0x1  }
0x15d: {  	(erf) = vpow2.f32 v5;
	_ =	sdelay $0x8  }
0x15e: {  	v5 =	vpop (erf)  }
0x15f: {  	v5 =	vadd.f32 $1.000000000e+00, v5;
	_ =	sdelay $0x1  }
0x160: {  	(erf) = vrcp.f32 v5;
	_ =	sdelay $0x8  }
0x161: {  	v5 =	vpop (erf)  }
0x162: {  	v5 =	vmul.f32 $1.000000000e+01, v5;
	_ =	sdelay $0x1  }
0x163: {  	v5 =	vtrunc.f32 v5  }
0x164: {  	v5 =	vcvt.f32.s32 v5;
	_ =	sdelay $0x1  }
0x165: {  	v6 =	vshll.u32 v5, $0xA  }
0x166: {  	v6 =	vadd.s32 s19, v6  }
0x167: {  	v6 =	vadd.s32 v4, v6  }
0x168: {  	v6 =	vadd.s32 v3, v6;
	_ =	sdelay $0x3  }
0x169: {  	[tilespmem:s20+$0xFFFFFFE0] =	vst v5  }
0x16a: {  	[tilespmem:v6+s16+$0x0] =	vst.idx.msk $0xffff, v2  }
0x16b: {  	v5 =	vld [tilespmem:s21+$0xFFFFFFF0];
	_ =	sdelay $0x4  }
0x16c: {  	v5 =	vsub.f32 $0.0e+00, v5;
	_ =	sdelay $0x1  }
0x16d: {  	v5 =	vmul.f32 $1.442695020e+00, v5;
	_ =	sdelay $0x1  }
0x16e: {  	(erf) = vpow2.f32 v5;
	_ =	sdelay $0x8  }
0x16f: {  	v5 =	vpop (erf)  }
0x170: {  	v5 =	vadd.f32 $1.000000000e+00, v5;
	_ =	sdelay $0x1  }
0x171: {  	(erf) = vrcp.f32 v5;
	_ =	sdelay $0x8  }
0x172: {  	v5 =	vpop (erf)  }
0x173: {  	v5 =	vmul.f32 $1.000000000e+01, v5;
	_ =	sdelay $0x1  }
0x174: {  	v5 =	vtrunc.f32 v5  }
0x175: {  	v5 =	vcvt.f32.s32 v5;
	_ =	sdelay $0x1  }
0x176: {  	s22 =	sadd.s32 $0x10, s19;
	v6 =	vshll.u32 v5, $0xA  }
0x177: {  	v6 =	vadd.s32 s22, v6  }
0x178: {  	v6 =	vadd.s32 v0, v6;
	_ =	sdelay $0x3  }
0x179: {  	[tilespmem:s20+$0xFFFFFFF0] =	vst v5  }
0x17a: {  	[tilespmem:v6+s16+$0x0] =	vst.idx.msk $0xffff, v2  }
0x17b: {  	v5 =	vld [tilespmem:s21+$0x0];
	_ =	sdelay $0x4  }
0x17c: {  	v5 =	vsub.f32 $0.0e+00, v5;
	_ =	sdelay $0x1  }
0x17d: {  	v5 =	vmul.f32 $1.442695020e+00, v5;
	_ =	sdelay $0x1  }
0x17e: {  	(erf) = vpow2.f32 v5;
	_ =	sdelay $0x8  }
0x17f: {  	v5 =	vpop (erf)  }
0x180: {  	v5 =	vadd.f32 $1.000000000e+00, v5;
	_ =	sdelay $0x1  }
0x181: {  	(erf) = vrcp.f32 v5;
	_ =	sdelay $0x8  }
0x182: {  	v5 =	vpop (erf)  }
0x183: {  	v5 =	vmul.f32 $1.000000000e+01, v5;
	_ =	sdelay $0x1  }
0x184: {  	v5 =	vtrunc.f32 v5  }
0x185: {  	v5 =	vcvt.f32.s32 v5;
	_ =	sdelay $0x1  }
0x186: {  	s30 =	sadd.s32 $0x20, s19;
	v6 =	vshll.u32 v5, $0xA  }
0x187: {  	v6 =	vadd.s32 s30, v6  }
0x188: {  	v6 =	vadd.s32 v0, v6;
	_ =	sdelay $0x3  }
0x189: {  	[tilespmem:s20+$0x0] =	vst v5  }
0x18a: {  	[tilespmem:v6+s16+$0x0] =	vst.idx.msk $0xffff, v2  }
0x18b: {  	v5 =	vld [tilespmem:s21+$0x10];
	_ =	sdelay $0x4  }
0x18c: {  	v5 =	vsub.f32 $0.0e+00, v5;
	_ =	sdelay $0x1  }
0x18d: {  	v5 =	vmul.f32 $1.442695020e+00, v5;
	_ =	sdelay $0x1  }
0x18e: {  	(erf) = vpow2.f32 v5;
	_ =	sdelay $0x8  }
0x18f: {  	v5 =	vpop (erf)  }
0x190: {  	v5 =	vadd.f32 $1.000000000e+00, v5;
	_ =	sdelay $0x1  }
0x191: {  	(erf) = vrcp.f32 v5;
	_ =	sdelay $0x8  }
0x192: {  	v5 =	vpop (erf)  }
0x193: {  	v5 =	vmul.f32 $1.000000000e+01, v5;
	_ =	sdelay $0x1  }
0x194: {  	v5 =	vtrunc.f32 v5  }
0x195: {  	v5 =	vcvt.f32.s32 v5;
	_ =	sdelay $0x1  }
0x196: {  	s31 =	sadd.s32 $0x30, s19;
	v6 =	vshll.u32 v5, $0xA  }
0x197: {  	v6 =	vadd.s32 s31, v6  }
0x198: {  	p0 =	sne.s32 s19, $0x3C0;
	v6 =	vadd.s32 v0, v6  }
.Ltmp3:
0x199: {  	_ = 	snop;
	(pc) =	sbr.rel @p0 .LBB2_8-.Ltmp3, $3  }
0x19a: {  	_ =	sdelay $0x1  }
0x19b: {  	[tilespmem:s20+$0x10] =	vst v5  }
0x19c: {  	s19 =	sadd.s32 $0x40, s19;
	s21 =	sadd.s32 $0x40, s21;
	s20 =	sadd.s32 $0x40, s20;
	[tilespmem:v6+s16+$0x0] =	vst.idx.msk $0xffff, v2  }
0x19d: {  	[hbm4b:s10+s14] =	stream.strided.scatter [tilespmem:s16], [sflag:$0x2], $0x8000, s15, s14, $0x38;
	[tilespmem:$0x11000] =	vst v63  }
0x19e: {  	s19 =	simm.s32 $0x1  }
.LBB2_10:
0x19f: {  	s20 =	sshll.u32 s19, $0xB  }
0x1a0: {  	_ =	swait.ge [sflag:s17], $0x8000;
	s21 =	sor.u32 s5, s20  }
0x1a1: {  	s22 =	simm.s32 $0x0;
	[sflag:s17] =	ssyncset.done $0x0;
	s21 =	sshrl.u32 s21, $0x3  }
0x1a2: {  	s23 =	simm.s32 $0x10820;
	[sflag:s17] =	ssyncadd.s32 $0xFFFF8000;
	s21 =	sadd.s32 s6, s21  }
.LBB2_11:
0x1a3: {  	v5 =	vld [tilespmem:s23+$0xFFFFFFE0];
	_ =	sdelay $0x4  }
0x1a4: {  	v5 =	vshll.u32 v5, $0xA  }
0x1a5: {  	v5 =	vadd.s32 s22, v5  }
0x1a6: {  	v5 =	vadd.s32 v4, v5  }
0x1a7: {  	v5 =	vadd.s32 v3, v5;
	_ =	sdelay $0x4  }
0x1a8: {  	[tilespmem:v5+s13+$0x0] =	vst.idx.msk $0xffff, v1  }
0x1a9: {  	v5 =	vld [tilespmem:s23+$0xFFFFFFF0];
	_ =	sdelay $0x4  }
0x1aa: {  	s24 =	sadd.s32 $0x10, s22;
	v5 =	vshll.u32 v5, $0xA  }
0x1ab: {  	v5 =	vadd.s32 s24, v5  }
0x1ac: {  	v5 =	vadd.s32 v0, v5;
	_ =	sdelay $0x4  }
0x1ad: {  	[tilespmem:v5+s13+$0x0] =	vst.idx.msk $0xffff, v1  }
0x1ae: {  	v5 =	vld [tilespmem:s23+$0x0];
	_ =	sdelay $0x4  }
0x1af: {  	s30 =	sadd.s32 $0x20, s22;
	v5 =	vshll.u32 v5, $0xA  }
0x1b0: {  	v5 =	vadd.s32 s30, v5  }
0x1b1: {  	v5 =	vadd.s32 v0, v5;
	_ =	sdelay $0x4  }
0x1b2: {  	[tilespmem:v5+s13+$0x0] =	vst.idx.msk $0xffff, v1  }
0x1b3: {  	v5 =	vld [tilespmem:s23+$0x10];
	_ =	sdelay $0x4  }
0x1b4: {  	s31 =	sadd.s32 $0x30, s22;
	v5 =	vshll.u32 v5, $0xA  }
0x1b5: {  	v5 =	vadd.s32 s31, v5  }
0x1b6: {  	p0 =	sne.s32 s22, $0x3C0;
	v5 =	vadd.s32 v0, v5  }
.Ltmp4:
0x1b7: {  	_ = 	snop;
	(pc) =	sbr.rel @p0 .LBB2_11-.Ltmp4, $2  }
0x1b8: {  	_ =	sdelay $0x2  }
0x1b9: {  	s22 =	sadd.s32 $0x40, s22;
	s23 =	sadd.s32 $0x40, s23;
	[tilespmem:v5+s13+$0x0] =	vst.idx.msk $0xffff, v1  }
0x1ba: {  	s22 =	sadd.s32 s4, s20  }
0x1bb: {  	s22 =	sshrl.u32 s22, $0x3  }
0x1bc: {  	s23 =	sadd.s32 s2, s22;
	s22 =	simm.s32 $0x0  }
0x1bd: {  	[tilespmem:s22], [sflag:$0x3] =	stream.linear.gather [hbm4b:s23+s22], $0x400, $0x38;
	[tilespmem:$0x11000] =	vst v63  }
0x1be: {  	_ =	swait.ge [sflag:s12], $0x400  }
0x1bf: {  	[sflag:s12] =	ssyncset.done $0x0  }
0x1c0: {  	s24 =	simm.s32 $0x20;
	s23 =	simm.s32 $0x10820;
	[sflag:s12] =	ssyncadd.s32 $0xFFFFFC00  }
.LBB2_13:
0x1c1: {  	v5 =	vld [tilespmem:s24+$0xFFFFFFE0];
	_ =	sdelay $0x4  }
0x1c2: {  	v5 =	vsub.f32 $0.0e+00, v5;
	_ =	sdelay $0x1  }
0x1c3: {  	v5 =	vmul.f32 $1.442695020e+00, v5;
	_ =	sdelay $0x1  }
0x1c4: {  	(erf) = vpow2.f32 v5;
	_ =	sdelay $0x8  }
0x1c5: {  	v5 =	vpop (erf)  }
0x1c6: {  	v5 =	vadd.f32 $1.000000000e+00, v5;
	_ =	sdelay $0x1  }
0x1c7: {  	(erf) = vrcp.f32 v5;
	_ =	sdelay $0x8  }
0x1c8: {  	v5 =	vpop (erf)  }
0x1c9: {  	v5 =	vmul.f32 $1.000000000e+01, v5;
	_ =	sdelay $0x1  }
0x1ca: {  	v5 =	vtrunc.f32 v5  }
0x1cb: {  	v5 =	vcvt.f32.s32 v5;
	_ =	sdelay $0x1  }
0x1cc: {  	v6 =	vshll.u32 v5, $0xA  }
0x1cd: {  	v6 =	vadd.s32 s22, v6  }
0x1ce: {  	v6 =	vadd.s32 v4, v6  }
0x1cf: {  	v6 =	vadd.s32 v3, v6;
	_ =	sdelay $0x3  }
0x1d0: {  	[tilespmem:s23+$0xFFFFFFE0] =	vst v5  }
0x1d1: {  	[tilespmem:v6+s13+$0x0] =	vst.idx.msk $0xffff, v2  }
0x1d2: {  	v5 =	vld [tilespmem:s24+$0xFFFFFFF0];
	_ =	sdelay $0x4  }
0x1d3: {  	v5 =	vsub.f32 $0.0e+00, v5;
	_ =	sdelay $0x1  }
0x1d4: {  	v5 =	vmul.f32 $1.442695020e+00, v5;
	_ =	sdelay $0x1  }
0x1d5: {  	(erf) = vpow2.f32 v5;
	_ =	sdelay $0x8  }
0x1d6: {  	v5 =	vpop (erf)  }
0x1d7: {  	v5 =	vadd.f32 $1.000000000e+00, v5;
	_ =	sdelay $0x1  }
0x1d8: {  	(erf) = vrcp.f32 v5;
	_ =	sdelay $0x8  }
0x1d9: {  	v5 =	vpop (erf)  }
0x1da: {  	v5 =	vmul.f32 $1.000000000e+01, v5;
	_ =	sdelay $0x1  }
0x1db: {  	v5 =	vtrunc.f32 v5  }
0x1dc: {  	v5 =	vcvt.f32.s32 v5;
	_ =	sdelay $0x1  }
0x1dd: {  	s25 =	sadd.s32 $0x10, s22;
	v6 =	vshll.u32 v5, $0xA  }
0x1de: {  	v6 =	vadd.s32 s25, v6  }
0x1df: {  	v6 =	vadd.s32 v0, v6;
	_ =	sdelay $0x3  }
0x1e0: {  	[tilespmem:s23+$0xFFFFFFF0] =	vst v5  }
0x1e1: {  	[tilespmem:v6+s13+$0x0] =	vst.idx.msk $0xffff, v2  }
0x1e2: {  	v5 =	vld [tilespmem:s24+$0x0];
	_ =	sdelay $0x4  }
0x1e3: {  	v5 =	vsub.f32 $0.0e+00, v5;
	_ =	sdelay $0x1  }
0x1e4: {  	v5 =	vmul.f32 $1.442695020e+00, v5;
	_ =	sdelay $0x1  }
0x1e5: {  	(erf) = vpow2.f32 v5;
	_ =	sdelay $0x8  }
0x1e6: {  	v5 =	vpop (erf)  }
0x1e7: {  	v5 =	vadd.f32 $1.000000000e+00, v5;
	_ =	sdelay $0x1  }
0x1e8: {  	(erf) = vrcp.f32 v5;
	_ =	sdelay $0x8  }
0x1e9: {  	v5 =	vpop (erf)  }
0x1ea: {  	v5 =	vmul.f32 $1.000000000e+01, v5;
	_ =	sdelay $0x1  }
0x1eb: {  	v5 =	vtrunc.f32 v5  }
0x1ec: {  	v5 =	vcvt.f32.s32 v5;
	_ =	sdelay $0x1  }
0x1ed: {  	s30 =	sadd.s32 $0x20, s22;
	v6 =	vshll.u32 v5, $0xA  }
0x1ee: {  	v6 =	vadd.s32 s30, v6  }
0x1ef: {  	v6 =	vadd.s32 v0, v6;
	_ =	sdelay $0x3  }
0x1f0: {  	[tilespmem:s23+$0x0] =	vst v5  }
0x1f1: {  	[tilespmem:v6+s13+$0x0] =	vst.idx.msk $0xffff, v2  }
0x1f2: {  	v5 =	vld [tilespmem:s24+$0x10];
	_ =	sdelay $0x4  }
0x1f3: {  	v5 =	vsub.f32 $0.0e+00, v5;
	_ =	sdelay $0x1  }
0x1f4: {  	v5 =	vmul.f32 $1.442695020e+00, v5;
	_ =	sdelay $0x1  }
0x1f5: {  	(erf) = vpow2.f32 v5;
	_ =	sdelay $0x8  }
0x1f6: {  	v5 =	vpop (erf)  }
0x1f7: {  	v5 =	vadd.f32 $1.000000000e+00, v5;
	_ =	sdelay $0x1  }
0x1f8: {  	(erf) = vrcp.f32 v5;
	_ =	sdelay $0x8  }
0x1f9: {  	v5 =	vpop (erf)  }
0x1fa: {  	v5 =	vmul.f32 $1.000000000e+01, v5;
	_ =	sdelay $0x1  }
0x1fb: {  	v5 =	vtrunc.f32 v5  }
0x1fc: {  	v5 =	vcvt.f32.s32 v5;
	_ =	sdelay $0x1  }
0x1fd: {  	s31 =	sadd.s32 $0x30, s22;
	v6 =	vshll.u32 v5, $0xA  }
0x1fe: {  	v6 =	vadd.s32 s31, v6  }
0x1ff: {  	p0 =	sne.s32 s22, $0x3C0;
	v6 =	vadd.s32 v0, v6  }
.Ltmp5:
0x200: {  	_ = 	snop;
	(pc) =	sbr.rel @p0 .LBB2_13-.Ltmp5, $3  }
0x201: {  	_ =	sdelay $0x1  }
0x202: {  	[tilespmem:s23+$0x10] =	vst v5  }
0x203: {  	s22 =	sadd.s32 $0x40, s22;
	s24 =	sadd.s32 $0x40, s24;
	s23 =	sadd.s32 $0x40, s23;
	[tilespmem:v6+s13+$0x0] =	vst.idx.msk $0xffff, v2  }
0x204: {  	[hbm4b:s21+s14] =	stream.strided.scatter [tilespmem:s13], [sflag:$0x1], $0x8000, s15, s14, $0x38;
	[tilespmem:$0x11000] =	vst v63  }
0x205: {  	s21 =	sor.u32 $0x400, s20  }
0x206: {  	s20 =	sor.u32 s5, s21;
	_ =	swait.ge [sflag:s18], $0x8000  }
0x207: {  	s22 =	simm.s32 $0x0;
	s20 =	sshrl.u32 s20, $0x3;
	[sflag:s18] =	ssyncset.done $0x0  }
0x208: {  	s23 =	simm.s32 $0x10C20;
	s20 =	sadd.s32 s6, s20;
	[sflag:s18] =	ssyncadd.s32 $0xFFFF8000  }
.LBB2_15:
0x209: {  	v5 =	vld [tilespmem:s23+$0xFFFFFFE0];
	_ =	sdelay $0x4  }
0x20a: {  	v5 =	vshll.u32 v5, $0xA  }
0x20b: {  	v5 =	vadd.s32 s22, v5  }
0x20c: {  	v5 =	vadd.s32 v4, v5  }
0x20d: {  	v5 =	vadd.s32 v3, v5;
	_ =	sdelay $0x4  }
0x20e: {  	[tilespmem:v5+s16+$0x0] =	vst.idx.msk $0xffff, v1  }
0x20f: {  	v5 =	vld [tilespmem:s23+$0xFFFFFFF0];
	_ =	sdelay $0x4  }
0x210: {  	s24 =	sadd.s32 $0x10, s22;
	v5 =	vshll.u32 v5, $0xA  }
0x211: {  	v5 =	vadd.s32 s24, v5  }
0x212: {  	v5 =	vadd.s32 v0, v5;
	_ =	sdelay $0x4  }
0x213: {  	[tilespmem:v5+s16+$0x0] =	vst.idx.msk $0xffff, v1  }
0x214: {  	v5 =	vld [tilespmem:s23+$0x0];
	_ =	sdelay $0x4  }
0x215: {  	s30 =	sadd.s32 $0x20, s22;
	v5 =	vshll.u32 v5, $0xA  }
0x216: {  	v5 =	vadd.s32 s30, v5  }
0x217: {  	v5 =	vadd.s32 v0, v5;
	_ =	sdelay $0x4  }
0x218: {  	[tilespmem:v5+s16+$0x0] =	vst.idx.msk $0xffff, v1  }
0x219: {  	v5 =	vld [tilespmem:s23+$0x10];
	_ =	sdelay $0x4  }
0x21a: {  	s31 =	sadd.s32 $0x30, s22;
	v5 =	vshll.u32 v5, $0xA  }
0x21b: {  	v5 =	vadd.s32 s31, v5  }
0x21c: {  	p0 =	sne.s32 s22, $0x3C0;
	v5 =	vadd.s32 v0, v5  }
.Ltmp6:
0x21d: {  	_ = 	snop;
	(pc) =	sbr.rel @p0 .LBB2_15-.Ltmp6, $2  }
0x21e: {  	_ =	sdelay $0x2  }
0x21f: {  	s22 =	sadd.s32 $0x40, s22;
	s23 =	sadd.s32 $0x40, s23;
	[tilespmem:v5+s16+$0x0] =	vst.idx.msk $0xffff, v1  }
0x220: {  	s21 =	sadd.s32 s4, s21  }
0x221: {  	s21 =	sshrl.u32 s21, $0x3  }
0x222: {  	s22 =	sadd.s32 s2, s21;
	s21 =	simm.s32 $0x0  }
0x223: {  	[tilespmem:s14], [sflag:$0x3] =	stream.linear.gather [hbm4b:s22+s21], $0x400, $0x38;
	[tilespmem:$0x11000] =	vst v63  }
0x224: {  	_ =	swait.ge [sflag:s12], $0x400  }
0x225: {  	[sflag:s12] =	ssyncset.done $0x0  }
0x226: {  	s23 =	simm.s32 $0x420;
	s22 =	simm.s32 $0x10C20;
	[sflag:s12] =	ssyncadd.s32 $0xFFFFFC00  }
.LBB2_17:
0x227: {  	v5 =	vld [tilespmem:s23+$0xFFFFFFE0];
	_ =	sdelay $0x4  }
0x228: {  	v5 =	vsub.f32 $0.0e+00, v5;
	_ =	sdelay $0x1  }
0x229: {  	v5 =	vmul.f32 $1.442695020e+00, v5;
	_ =	sdelay $0x1  }
0x22a: {  	(erf) = vpow2.f32 v5;
	_ =	sdelay $0x8  }
0x22b: {  	v5 =	vpop (erf)  }
0x22c: {  	v5 =	vadd.f32 $1.000000000e+00, v5;
	_ =	sdelay $0x1  }
0x22d: {  	(erf) = vrcp.f32 v5;
	_ =	sdelay $0x8  }
0x22e: {  	v5 =	vpop (erf)  }
0x22f: {  	v5 =	vmul.f32 $1.000000000e+01, v5;
	_ =	sdelay $0x1  }
0x230: {  	v5 =	vtrunc.f32 v5  }
0x231: {  	v5 =	vcvt.f32.s32 v5;
	_ =	sdelay $0x1  }
0x232: {  	v6 =	vshll.u32 v5, $0xA  }
0x233: {  	v6 =	vadd.s32 s21, v6  }
0x234: {  	v6 =	vadd.s32 v4, v6  }
0x235: {  	v6 =	vadd.s32 v3, v6;
	_ =	sdelay $0x3  }
0x236: {  	[tilespmem:s22+$0xFFFFFFE0] =	vst v5  }
0x237: {  	[tilespmem:v6+s16+$0x0] =	vst.idx.msk $0xffff, v2  }
0x238: {  	v5 =	vld [tilespmem:s23+$0xFFFFFFF0];
	_ =	sdelay $0x4  }
0x239: {  	v5 =	vsub.f32 $0.0e+00, v5;
	_ =	sdelay $0x1  }
0x23a: {  	v5 =	vmul.f32 $1.442695020e+00, v5;
	_ =	sdelay $0x1  }
0x23b: {  	(erf) = vpow2.f32 v5;
	_ =	sdelay $0x8  }
0x23c: {  	v5 =	vpop (erf)  }
0x23d: {  	v5 =	vadd.f32 $1.000000000e+00, v5;
	_ =	sdelay $0x1  }
0x23e: {  	(erf) = vrcp.f32 v5;
	_ =	sdelay $0x8  }
0x23f: {  	v5 =	vpop (erf)  }
0x240: {  	v5 =	vmul.f32 $1.000000000e+01, v5;
	_ =	sdelay $0x1  }
0x241: {  	v5 =	vtrunc.f32 v5  }
0x242: {  	v5 =	vcvt.f32.s32 v5;
	_ =	sdelay $0x1  }
0x243: {  	s24 =	sadd.s32 $0x10, s21;
	v6 =	vshll.u32 v5, $0xA  }
0x244: {  	v6 =	vadd.s32 s24, v6  }
0x245: {  	v6 =	vadd.s32 v0, v6;
	_ =	sdelay $0x3  }
0x246: {  	[tilespmem:s22+$0xFFFFFFF0] =	vst v5  }
0x247: {  	[tilespmem:v6+s16+$0x0] =	vst.idx.msk $0xffff, v2  }
0x248: {  	v5 =	vld [tilespmem:s23+$0x0];
	_ =	sdelay $0x4  }
0x249: {  	v5 =	vsub.f32 $0.0e+00, v5;
	_ =	sdelay $0x1  }
0x24a: {  	v5 =	vmul.f32 $1.442695020e+00, v5;
	_ =	sdelay $0x1  }
0x24b: {  	(erf) = vpow2.f32 v5;
	_ =	sdelay $0x8  }
0x24c: {  	v5 =	vpop (erf)  }
0x24d: {  	v5 =	vadd.f32 $1.000000000e+00, v5;
	_ =	sdelay $0x1  }
0x24e: {  	(erf) = vrcp.f32 v5;
	_ =	sdelay $0x8  }
0x24f: {  	v5 =	vpop (erf)  }
0x250: {  	v5 =	vmul.f32 $1.000000000e+01, v5;
	_ =	sdelay $0x1  }
0x251: {  	v5 =	vtrunc.f32 v5  }
0x252: {  	v5 =	vcvt.f32.s32 v5;
	_ =	sdelay $0x1  }
0x253: {  	s30 =	sadd.s32 $0x20, s21;
	v6 =	vshll.u32 v5, $0xA  }
0x254: {  	v6 =	vadd.s32 s30, v6  }
0x255: {  	v6 =	vadd.s32 v0, v6;
	_ =	sdelay $0x3  }
0x256: {  	[tilespmem:s22+$0x0] =	vst v5  }
0x257: {  	[tilespmem:v6+s16+$0x0] =	vst.idx.msk $0xffff, v2  }
0x258: {  	v5 =	vld [tilespmem:s23+$0x10];
	_ =	sdelay $0x4  }
0x259: {  	v5 =	vsub.f32 $0.0e+00, v5;
	_ =	sdelay $0x1  }
0x25a: {  	v5 =	vmul.f32 $1.442695020e+00, v5;
	_ =	sdelay $0x1  }
0x25b: {  	(erf) = vpow2.f32 v5;
	_ =	sdelay $0x8  }
0x25c: {  	v5 =	vpop (erf)  }
0x25d: {  	v5 =	vadd.f32 $1.000000000e+00, v5;
	_ =	sdelay $0x1  }
0x25e: {  	(erf) = vrcp.f32 v5;
	_ =	sdelay $0x8  }
0x25f: {  	v5 =	vpop (erf)  }
0x260: {  	v5 =	vmul.f32 $1.000000000e+01, v5;
	_ =	sdelay $0x1  }
0x261: {  	v5 =	vtrunc.f32 v5  }
0x262: {  	v5 =	vcvt.f32.s32 v5;
	_ =	sdelay $0x1  }
0x263: {  	s31 =	sadd.s32 $0x30, s21;
	v6 =	vshll.u32 v5, $0xA  }
0x264: {  	v6 =	vadd.s32 s31, v6  }
0x265: {  	p0 =	sne.s32 s21, $0x3C0;
	v6 =	vadd.s32 v0, v6  }
.Ltmp7:
0x266: {  	_ = 	snop;
	(pc) =	sbr.rel @p0 .LBB2_17-.Ltmp7, $3  }
0x267: {  	_ =	sdelay $0x1  }
0x268: {  	[tilespmem:s22+$0x10] =	vst v5  }
0x269: {  	s21 =	sadd.s32 $0x40, s21;
	s23 =	sadd.s32 $0x40, s23;
	s22 =	sadd.s32 $0x40, s22;
	[tilespmem:v6+s16+$0x0] =	vst.idx.msk $0xffff, v2  }
0x26a: {  	s19 =	sadd.s32 $0x1, s19  }
0x26b: {  	p0 =	sne.s32 s19, $0x30  }
.Ltmp8:
0x26c: {  	_ = 	snop;
	(pc) =	sbr.rel @p0 .LBB2_10-.Ltmp8, $2  }
0x26d: {  	_ =	sdelay $0x2  }
0x26e: {  	[hbm4b:s20+s14] =	stream.strided.scatter [tilespmem:s16], [sflag:$0x2], $0x8000, s15, s14, $0x38;
	[tilespmem:$0x11000] =	vst v63  }
0x26f: {  	s3 =	sadd.s32 $0x1, s3  }
0x270: {  	_ =	swait.ge [sflag:s17], $0x8000;
	p0 =	sne.s32 s3, s11  }
.Ltmp9:
0x271: {  	[sflag:s17] =	ssyncset.done $0x0;
	(pc) =	sbr.rel @p0 .LBB2_1-.Ltmp9, $4  }
0x272: {  	[sflag:s17] =	ssyncadd.s32 $0xFFFF8000  }
0x273: {  	_ =	swait.ge [sflag:s18], $0x8000  }
0x274: {  	[sflag:s18] =	ssyncset.done $0x0  }
0x275: {  	[sflag:s18] =	ssyncadd.s32 $0xFFFF8000  }
0x276: {  	_ =	sfence.sel $0x180000  }
0x277: {  	[bflag:$0x0] =	sbarrier.arrive $0xFFFF  }
0x278: {  	p0 =	sne.s32 s0, $0x0;
	_ =	strace $0x90000047  }
0x279: {  	s0 =	sadd.s32 @!p0 $0x100000, s1;
	[bflag:$0x2] =	sbarrier.arrive $0xFFFF  }
0x27a: {  	[sflag:s0] =	ssyncadd.tile.s32 @!p0 $0x1;
	_ =	shalt  }
.Lfunc_end2:
_tile_overlayer_lowered:
.L_overlay_start_2:
0x27b: {  	(tag) =	ssettag $0x2  }
0x27c: {  	s0 =	rddreg [dreg:$0x0];
	s2 =	stileid.u32  }
0x27d: {  	s1 =	rddreg [dreg:$0x1];
	p0 =	sne.s32 s2, $0x0  }
0x27e: {  	s3 =	rddreg [dreg:$0x2];
	[bflag:$0x3] =	sbarrier.arrive $0xFFFF;
	s2 =	simm.s32 @!p0 $0x1C03  }
0x27f: {  	[timem:s3], [sflag:s2] =	dma.local @!p0 [hbm:s0], s1  }
0x280: {  	s0 =	simm.s32 @!p0 $0x3  }
0x281: {  	_ =	swait.ge @!p0 [sflag:s0], s1  }
0x282: {  	s1 =	ssub.s32 @!p0 $0x0, s1;
	[sflag:s0] =	ssyncset.done @!p0 $0x0  }
0x283: {  	[sflag:s0] =	ssyncadd.s32 @!p0 s1  }
0x284: {  	[bflag:$0x3] =	sbarrier.arrive $0xFFFF  }
0x285: {  	_ =	shalt  }

</sc_bundles>
